<compile_context>
chip_gen: v7x
topology: tpu7x:2x2x1
jax: 0.10.2.dev20260603
libtpu: 0.0.44.dev20260713+nightly
codegen_flags: <defaults>
</compile_context>

<pallas_src>
import functools

import jax
import jax.numpy as jnp
from jax import lax
from jax.experimental import pallas as pl
from jax.experimental.pallas import tpu as pltpu
from jax.experimental.pallas import tpu_sc as plsc

VOCAB = 100000
EMBED = 32
BLOCK = 8
BATCH = 128
ROWS = BATCH * BLOCK

NC = 2
NS = 16
NW = NC * NS
ROWS_PER_W = ROWS // NW

RB = 32
CB = RB // BLOCK
NRB = ROWS // RB


def _emb_body(tok_hbm, idx_hbm, pos_hbm, out_hbm, idx_v, rows_v, pos_v, sem):
    wid = lax.axis_index("s") * NC + lax.axis_index("c")
    base = wid * ROWS_PER_W
    pltpu.sync_copy(idx_hbm.at[pl.ds(base, ROWS_PER_W)], idx_v)
    pltpu.sync_copy(pos_hbm, pos_v)
    pltpu.async_copy(tok_hbm.at[idx_v], rows_v, sem).wait()
    for r in range(ROWS_PER_W):
        for c in range(EMBED // 16):
            sl = pl.ds(c * 16, 16)
            rows_v[r, sl] = rows_v[r, sl] + pos_v[r % BLOCK, sl]
    pltpu.sync_copy(rows_v, out_hbm.at[pl.ds(base, ROWS_PER_W)])


@functools.cache
def _emb_kernel():
    return pl.kernel(
        _emb_body,
        out_type=jax.ShapeDtypeStruct((ROWS, EMBED), jnp.float32),
        mesh=plsc.VectorSubcoreMesh(
            core_axis_name="c", subcore_axis_name="s", num_cores=NC, num_subcores=NS
        ),
        scratch_types=[
            pltpu.VMEM((ROWS_PER_W,), jnp.int32),
            pltpu.VMEM((ROWS_PER_W, EMBED), jnp.float32),
            pltpu.VMEM((BLOCK, EMBED), jnp.float32),
            pltpu.SemaphoreType.DMA,
        ],
        compiler_params=pltpu.CompilerParams(use_tc_tiling_on_sc=False),
    )


def _mm_body(x_ref, w_ref, b_ref, o_ref):
    o_ref[...] = (
        jnp.dot(x_ref[...], w_ref[...], preferred_element_type=jnp.float32)
        + b_ref[...]
    )


def kernel(idx, tok_table, pos_table, W, b):
    idx_flat = idx.reshape(ROWS).astype(jnp.int32)
    x = _emb_kernel()(tok_table, idx_flat, pos_table)
    logits = pl.pallas_call(
        _mm_body,
        grid=(NRB,),
        in_specs=[
            pl.BlockSpec((RB, EMBED), lambda i: (i, 0)),
            pl.BlockSpec((EMBED, VOCAB), lambda i: (0, 0)),
            pl.BlockSpec((1, VOCAB), lambda i: (0, 0)),
        ],
        out_specs=pl.BlockSpec((RB, VOCAB), lambda i: (i, 0)),
        out_shape=jax.ShapeDtypeStruct((ROWS, VOCAB), jnp.float32),
    )(x, W, b.reshape(1, VOCAB))
    return logits.reshape(BATCH, BLOCK, VOCAB)

# --- scband reference (transcript-rebuilt; emitter-appended) ---
"""Pipeline reference for scband-bigram-language-model-49057116455581 (READ-ONLY COPY).

The authoritative reference and input builder live on the scoring server;
editing this copy changes nothing except your own understanding.
"""

import jax, jax.numpy as jnp
import numpy as np

VOCAB = 100000
EMBED = 32
BLOCK = 8
BATCH = 128

def setup_inputs(seed: int = 0) -> dict:
    key = jax.random.key(seed)
    k1, k2, k3, k4, k5 = jax.random.split(key, 5)
    idx = jax.random.randint(k1, (BATCH, BLOCK), 0, VOCAB, dtype=jnp.int64 if jax.config.jax_enable_x64 else jnp.int32)
    tok_table = jax.random.normal(k2, (VOCAB, EMBED), dtype=jnp.float32)
    pos_table = jax.random.normal(k3, (BLOCK, EMBED), dtype=jnp.float32)
    W = jax.random.normal(k4, (EMBED, VOCAB), dtype=jnp.float32) * (1.0 / np.sqrt(EMBED))
    b = jax.random.normal(k5, (VOCAB,), dtype=jnp.float32) * 0.01
    return {"idx": idx, "tok_table": tok_table, "pos_table": pos_table, "W": W, "b": b}

def reference(idx, tok_table, pos_table, W, b):
    # token_embedding = self.token_embedding_table(idx)
    token_embedding = jnp.take(tok_table, idx, axis=0)          # [B, T, E]
    # position_embedding = self.position_embedding_table(arange(T))
    T = idx.shape[1]
    position_embedding = jnp.take(pos_table, jnp.arange(T), axis=0)  # [T, E]
    x = token_embedding + position_embedding[None, :, :]         # [B, T, E]
    # logits = self.lm_head(x)
    logits = jnp.einsum('bte,ev->btv', x, W) + b                 # [B, T, V]
    # target is None -> loss is None; return logits only
    return logits

if __name__ == "__main__":
    import jax
    _d = setup_inputs()
    print(jax.jit(kernel)(*tuple(_d.values())))

</pallas_src>

<mosaic_0001>
#map = affine_map<(d0, d1) -> (0, 0)>
#map1 = affine_map<(d0, d1) -> (0)>
module attributes {stable_mosaic.version = 14 : i64} {
  func.func @_emb_body(%arg0: i32, %arg1: i32, %arg2: memref<100000x32xf32, #tpu.memory_space<hbm>>, %arg3: memref<1024xi32, #tpu.memory_space<hbm>>, %arg4: memref<8x32xf32, #tpu.memory_space<hbm>>, %arg5: memref<1024x32xf32, #tpu.memory_space<hbm>>, %arg6: memref<32xi32, #tpu.memory_space<vmem>>, %arg7: memref<32x32xf32, #tpu.memory_space<vmem>>, %arg8: memref<8x32xf32, #tpu.memory_space<vmem>>, %arg9: memref<!tpu.dma_semaphore, #tpu.memory_space<semaphore_mem>>) attributes {dimension_semantics = [#tpu.dimension_semantics<core_parallel>, #tpu.dimension_semantics<subcore_parallel>], iteration_bounds = array<i64: 2, 16>, scalar_prefetch = 0 : i64, scratch_operands = 4 : i64, tpu.core_type = #tpu.core_type<sc_vector_subcore>, window_params = [{transform_indices = #map}, {transform_indices = #map1}, {transform_indices = #map}, {transform_indices = #map}]} {
    %mul3A = arith.constant 2 : i32
    %mul3A_0 = arith.muli %arg1, %mul3A : i32
    %add3A = arith.addi %mul3A_0, %arg0 : i32
    %mul3A_1 = arith.constant 32 : i32
    %mul3A_2 = arith.muli %add3A, %mul3A_1 : i32
    "tpu.region"() ({
      %run_scoped3A = tpu.sem_alloc : memref<!tpu.dma_semaphore, #tpu.memory_space<semaphore_mem>>
      %dma_start3A_1093 = tpu.memref_slice %arg3[%mul3A_2] : memref<1024xi32, #tpu.memory_space<hbm>> -> memref<32xi32, #tpu.memory_space<hbm>>
      %dma_start3A_1094 = tpu.memref_slice %arg3[%mul3A_2] : memref<1024xi32, #tpu.memory_space<hbm>> -> memref<32xi32, #tpu.memory_space<hbm>>
      tpu.enqueue_dma source(%dma_start3A_1094 : memref<32xi32, #tpu.memory_space<hbm>>) target(%arg6 : memref<32xi32, #tpu.memory_space<vmem>>) target_semaphore(%run_scoped3A : memref<!tpu.dma_semaphore, #tpu.memory_space<semaphore_mem>>)
      %dma_wait3A_1095 = tpu.memref_slice %arg3[%mul3A_2] : memref<1024xi32, #tpu.memory_space<hbm>> -> memref<32xi32, #tpu.memory_space<hbm>>
      %dma_wait3A_1096 = tpu.memref_slice %arg3[%mul3A_2] : memref<1024xi32, #tpu.memory_space<hbm>> -> memref<32xi32, #tpu.memory_space<hbm>>
      tpu.wait_dma2 semaphore(%run_scoped3A : memref<!tpu.dma_semaphore, #tpu.memory_space<semaphore_mem>>) src(%dma_wait3A_1096 : memref<32xi32, #tpu.memory_space<hbm>>) dst(%arg6 : memref<32xi32, #tpu.memory_space<vmem>>)
      tpu.yield
    }) : () -> ()
    "tpu.region"() ({
      %run_scoped3A = tpu.sem_alloc : memref<!tpu.dma_semaphore, #tpu.memory_space<semaphore_mem>>
      tpu.enqueue_dma source(%arg4 : memref<8x32xf32, #tpu.memory_space<hbm>>) target(%arg8 : memref<8x32xf32, #tpu.memory_space<vmem>>) target_semaphore(%run_scoped3A : memref<!tpu.dma_semaphore, #tpu.memory_space<semaphore_mem>>)
      tpu.wait_dma2 semaphore(%run_scoped3A : memref<!tpu.dma_semaphore, #tpu.memory_space<semaphore_mem>>) src(%arg4 : memref<8x32xf32, #tpu.memory_space<hbm>>) dst(%arg8 : memref<8x32xf32, #tpu.memory_space<vmem>>)
      tpu.yield
    }) : () -> ()
    %dma_start3A = arith.constant 0 : i32
    %dma_start3A_3 = arith.constant 0 : i32
    %dma_start3A_4 = tpu.memref_slice %arg2[%dma_start3A, %dma_start3A_3] : memref<100000x32xf32, #tpu.memory_space<hbm>> -> memref<100000x32xf32, #tpu.memory_space<hbm>>
    tpu.enqueue_indirect_dma source(%dma_start3A_4 : memref<100000x32xf32, #tpu.memory_space<hbm>>) target(%arg7 : memref<32x32xf32, #tpu.memory_space<vmem>>) offsets(%arg6 : memref<32xi32, #tpu.memory_space<vmem>>) semaphore(%arg9 : memref<!tpu.dma_semaphore, #tpu.memory_space<semaphore_mem>>)
    %dma_wait3A = arith.constant 0 : i32
    %dma_wait3A_5 = arith.constant 0 : i32
    %dma_wait3A_6 = tpu.memref_slice %arg2[%dma_wait3A, %dma_wait3A_5] : memref<100000x32xf32, #tpu.memory_space<hbm>> -> memref<100000x32xf32, #tpu.memory_space<hbm>>
    tpu.wait_indirect_dma semaphore(%arg9 : memref<!tpu.dma_semaphore, #tpu.memory_space<semaphore_mem>>) src(%dma_wait3A_6 : memref<100000x32xf32, #tpu.memory_space<hbm>>) dst(%arg7 : memref<32x32xf32, #tpu.memory_space<vmem>>)
    %get3A = arith.constant 0 : i32
    %get3A_7 = arith.index_cast %get3A : i32 to index
    %get3A_8 = arith.constant 0 : index
    %get3A_9 = tpu.vector_load %arg7[%get3A_7, %get3A_8] {strides = array<i32>} : memref<32x32xf32, #tpu.memory_space<vmem>>, vector<1x16xf32>,
    %get3A_10 = vector.shape_cast %get3A_9 : vector<1x16xf32> to vector<16xf32>
    %get3A_11 = arith.constant 0 : i32
    %get3A_12 = arith.index_cast %get3A_11 : i32 to index
    %get3A_13 = arith.constant 0 : index
    %get3A_14 = tpu.vector_load %arg8[%get3A_12, %get3A_13] {strides = array<i32>} : memref<8x32xf32, #tpu.memory_space<vmem>>, vector<1x16xf32>,
    %get3A_15 = vector.shape_cast %get3A_14 : vector<1x16xf32> to vector<16xf32>
    %add3A_16 = arith.addf %get3A_10, %get3A_15 : vector<16xf32>
    %swap3A = arith.constant 0 : i32
    %swap3A_17 = arith.index_cast %swap3A : i32 to index
    %swap3A_18 = arith.constant 0 : index
    %swap3A_19 = tpu.vector_load %arg7[%swap3A_17, %swap3A_18] {strides = array<i32>} : memref<32x32xf32, #tpu.memory_space<vmem>>, vector<1x16xf32>,
    %swap3A_20 = vector.shape_cast %swap3A_19 : vector<1x16xf32> to vector<16xf32>
    %swap3A_21 = vector.shape_cast %add3A_16 : vector<16xf32> to vector<1x16xf32>
    tpu.vector_store %arg7[%swap3A_17, %swap3A_18], %swap3A_21 {strides = array<i32>} : memref<32x32xf32, #tpu.memory_space<vmem>>, vector<1x16xf32>,
    %get3A_22 = arith.constant 0 : i32
    %get3A_23 = arith.index_cast %get3A_22 : i32 to index
    %get3A_24 = arith.constant 16 : index
    %get3A_25 = tpu.vector_load %arg7[%get3A_23, %get3A_24] {strides = array<i32>} : memref<32x32xf32, #tpu.memory_space<vmem>>, vector<1x16xf32>,
    %get3A_26 = vector.shape_cast %get3A_25 : vector<1x16xf32> to vector<16xf32>
    %get3A_27 = arith.constant 0 : i32
    %get3A_28 = arith.index_cast %get3A_27 : i32 to index
    %get3A_29 = arith.constant 16 : index
    %get3A_30 = tpu.vector_load %arg8[%get3A_28, %get3A_29] {strides = array<i32>} : memref<8x32xf32, #tpu.memory_space<vmem>>, vector<1x16xf32>,
    %get3A_31 = vector.shape_cast %get3A_30 : vector<1x16xf32> to vector<16xf32>
    %add3A_32 = arith.addf %get3A_26, %get3A_31 : vector<16xf32>
    %swap3A_33 = arith.constant 0 : i32
    %swap3A_34 = arith.index_cast %swap3A_33 : i32 to index
    %swap3A_35 = arith.constant 16 : index
    %swap3A_36 = tpu.vector_load %arg7[%swap3A_34, %swap3A_35] {strides = array<i32>} : memref<32x32xf32, #tpu.memory_space<vmem>>, vector<1x16xf32>,
    %swap3A_37 = vector.shape_cast %swap3A_36 : vector<1x16xf32> to vector<16xf32>
    %swap3A_38 = vector.shape_cast %add3A_32 : vector<16xf32> to vector<1x16xf32>
    tpu.vector_store %arg7[%swap3A_34, %swap3A_35], %swap3A_38 {strides = array<i32>} : memref<32x32xf32, #tpu.memory_space<vmem>>, vector<1x16xf32>,
    %get3A_39 = arith.constant 1 : i32
    %get3A_40 = arith.index_cast %get3A_39 : i32 to index
    %get3A_41 = arith.constant 0 : index
    %get3A_42 = tpu.vector_load %arg7[%get3A_40, %get3A_41] {strides = array<i32>} : memref<32x32xf32, #tpu.memory_space<vmem>>, vector<1x16xf32>,
    %get3A_43 = vector.shape_cast %get3A_42 : vector<1x16xf32> to vector<16xf32>
    %get3A_44 = arith.constant 1 : i32
    %get3A_45 = arith.index_cast %get3A_44 : i32 to index
    %get3A_46 = arith.constant 0 : index
    %get3A_47 = tpu.vector_load %arg8[%get3A_45, %get3A_46] {strides = array<i32>} : memref<8x32xf32, #tpu.memory_space<vmem>>, vector<1x16xf32>,
    %get3A_48 = vector.shape_cast %get3A_47 : vector<1x16xf32> to vector<16xf32>
    %add3A_49 = arith.addf %get3A_43, %get3A_48 : vector<16xf32>
    %swap3A_50 = arith.constant 1 : i32
    %swap3A_51 = arith.index_cast %swap3A_50 : i32 to index
    %swap3A_52 = arith.constant 0 : index
    %swap3A_53 = tpu.vector_load %arg7[%swap3A_51, %swap3A_52] {strides = array<i32>} : memref<32x32xf32, #tpu.memory_space<vmem>>, vector<1x16xf32>,
    %swap3A_54 = vector.shape_cast %swap3A_53 : vector<1x16xf32> to vector<16xf32>
    %swap3A_55 = vector.shape_cast %add3A_49 : vector<16xf32> to vector<1x16xf32>
    tpu.vector_store %arg7[%swap3A_51, %swap3A_52], %swap3A_55 {strides = array<i32>} : memref<32x32xf32, #tpu.memory_space<vmem>>, vector<1x16xf32>,
    %get3A_56 = arith.constant 1 : i32
    %get3A_57 = arith.index_cast %get3A_56 : i32 to index
    %get3A_58 = arith.constant 16 : index
    %get3A_59 = tpu.vector_load %arg7[%get3A_57, %get3A_58] {strides = array<i32>} : memref<32x32xf32, #tpu.memory_space<vmem>>, vector<1x16xf32>,
    %get3A_60 = vector.shape_cast %get3A_59 : vector<1x16xf32> to vector<16xf32>
    %get3A_61 = arith.constant 1 : i32
    %get3A_62 = arith.index_cast %get3A_61 : i32 to index
    %get3A_63 = arith.constant 16 : index
    %get3A_64 = tpu.vector_load %arg8[%get3A_62, %get3A_63] {strides = array<i32>} : memref<8x32xf32, #tpu.memory_space<vmem>>, vector<1x16xf32>,
    %get3A_65 = vector.shape_cast %get3A_64 : vector<1x16xf32> to vector<16xf32>
    %add3A_66 = arith.addf %get3A_60, %get3A_65 : vector<16xf32>
    %swap3A_67 = arith.constant 1 : i32
    %swap3A_68 = arith.index_cast %swap3A_67 : i32 to index
    %swap3A_69 = arith.constant 16 : index
    %swap3A_70 = tpu.vector_load %arg7[%swap3A_68, %swap3A_69] {strides = array<i32>} : memref<32x32xf32, #tpu.memory_space<vmem>>, vector<1x16xf32>,
    %swap3A_71 = vector.shape_cast %swap3A_70 : vector<1x16xf32> to vector<16xf32>
    %swap3A_72 = vector.shape_cast %add3A_66 : vector<16xf32> to vector<1x16xf32>
    tpu.vector_store %arg7[%swap3A_68, %swap3A_69], %swap3A_72 {strides = array<i32>} : memref<32x32xf32, #tpu.memory_space<vmem>>, vector<1x16xf32>,
    %get3A_73 = arith.constant 2 : i32
    %get3A_74 = arith.index_cast %get3A_73 : i32 to index
    %get3A_75 = arith.constant 0 : index
    %get3A_76 = tpu.vector_load %arg7[%get3A_74, %get3A_75] {strides = array<i32>} : memref<32x32xf32, #tpu.memory_space<vmem>>, vector<1x16xf32>,
    %get3A_77 = vector.shape_cast %get3A_76 : vector<1x16xf32> to vector<16xf32>
    %get3A_78 = arith.constant 2 : i32
    %get3A_79 = arith.index_cast %get3A_78 : i32 to index
    %get3A_80 = arith.constant 0 : index
    %get3A_81 = tpu.vector_load %arg8[%get3A_79, %get3A_80] {strides = array<i32>} : memref<8x32xf32, #tpu.memory_space<vmem>>, vector<1x16xf32>,
    %get3A_82 = vector.shape_cast %get3A_81 : vector<1x16xf32> to vector<16xf32>
    %add3A_83 = arith.addf %get3A_77, %get3A_82 : vector<16xf32>
    %swap3A_84 = arith.constant 2 : i32
    %swap3A_85 = arith.index_cast %swap3A_84 : i32 to index
    %swap3A_86 = arith.constant 0 : index
    %swap3A_87 = tpu.vector_load %arg7[%swap3A_85, %swap3A_86] {strides = array<i32>} : memref<32x32xf32, #tpu.memory_space<vmem>>, vector<1x16xf32>,
    %swap3A_88 = vector.shape_cast %swap3A_87 : vector<1x16xf32> to vector<16xf32>
    %swap3A_89 = vector.shape_cast %add3A_83 : vector<16xf32> to vector<1x16xf32>
    tpu.vector_store %arg7[%swap3A_85, %swap3A_86], %swap3A_89 {strides = array<i32>} : memref<32x32xf32, #tpu.memory_space<vmem>>, vector<1x16xf32>,
    %get3A_90 = arith.constant 2 : i32
    %get3A_91 = arith.index_cast %get3A_90 : i32 to index
    %get3A_92 = arith.constant 16 : index
    %get3A_93 = tpu.vector_load %arg7[%get3A_91, %get3A_92] {strides = array<i32>} : memref<32x32xf32, #tpu.memory_space<vmem>>, vector<1x16xf32>,
    %get3A_94 = vector.shape_cast %get3A_93 : vector<1x16xf32> to vector<16xf32>
    %get3A_95 = arith.constant 2 : i32
    %get3A_96 = arith.index_cast %get3A_95 : i32 to index
    %get3A_97 = arith.constant 16 : index
    %get3A_98 = tpu.vector_load %arg8[%get3A_96, %get3A_97] {strides = array<i32>} : memref<8x32xf32, #tpu.memory_space<vmem>>, vector<1x16xf32>,
    %get3A_99 = vector.shape_cast %get3A_98 : vector<1x16xf32> to vector<16xf32>
    %add3A_100 = arith.addf %get3A_94, %get3A_99 : vector<16xf32>
    %swap3A_101 = arith.constant 2 : i32
    %swap3A_102 = arith.index_cast %swap3A_101 : i32 to index
    %swap3A_103 = arith.constant 16 : index
    %swap3A_104 = tpu.vector_load %arg7[%swap3A_102, %swap3A_103] {strides = array<i32>} : memref<32x32xf32, #tpu.memory_space<vmem>>, vector<1x16xf32>,
    %swap3A_105 = vector.shape_cast %swap3A_104 : vector<1x16xf32> to vector<16xf32>
    %swap3A_106 = vector.shape_cast %add3A_100 : vector<16xf32> to vector<1x16xf32>
    tpu.vector_store %arg7[%swap3A_102, %swap3A_103], %swap3A_106 {strides = array<i32>} : memref<32x32xf32, #tpu.memory_space<vmem>>, vector<1x16xf32>,
    %get3A_107 = arith.constant 3 : i32
    %get3A_108 = arith.index_cast %get3A_107 : i32 to index
    %get3A_109 = arith.constant 0 : index
    %get3A_110 = tpu.vector_load %arg7[%get3A_108, %get3A_109] {strides = array<i32>} : memref<32x32xf32, #tpu.memory_space<vmem>>, vector<1x16xf32>,
    %get3A_111 = vector.shape_cast %get3A_110 : vector<1x16xf32> to vector<16xf32>
    %get3A_112 = arith.constant 3 : i32
    %get3A_113 = arith.index_cast %get3A_112 : i32 to index
    %get3A_114 = arith.constant 0 : index
    %get3A_115 = tpu.vector_load %arg8[%get3A_113, %get3A_114] {strides = array<i32>} : memref<8x32xf32, #tpu.memory_space<vmem>>, vector<1x16xf32>,
    %get3A_116 = vector.shape_cast %get3A_115 : vector<1x16xf32> to vector<16xf32>
    %add3A_117 = arith.addf %get3A_111, %get3A_116 : vector<16xf32>
    %swap3A_118 = arith.constant 3 : i32
    %swap3A_119 = arith.index_cast %swap3A_118 : i32 to index
    %swap3A_120 = arith.constant 0 : index
    %swap3A_121 = tpu.vector_load %arg7[%swap3A_119, %swap3A_120] {strides = array<i32>} : memref<32x32xf32, #tpu.memory_space<vmem>>, vector<1x16xf32>,
    %swap3A_122 = vector.shape_cast %swap3A_121 : vector<1x16xf32> to vector<16xf32>
    %swap3A_123 = vector.shape_cast %add3A_117 : vector<16xf32> to vector<1x16xf32>
    tpu.vector_store %arg7[%swap3A_119, %swap3A_120], %swap3A_123 {strides = array<i32>} : memref<32x32xf32, #tpu.memory_space<vmem>>, vector<1x16xf32>,
    %get3A_124 = arith.constant 3 : i32
    %get3A_125 = arith.index_cast %get3A_124 : i32 to index
    %get3A_126 = arith.constant 16 : index
    %get3A_127 = tpu.vector_load %arg7[%get3A_125, %get3A_126] {strides = array<i32>} : memref<32x32xf32, #tpu.memory_space<vmem>>, vector<1x16xf32>,
    %get3A_128 = vector.shape_cast %get3A_127 : vector<1x16xf32> to vector<16xf32>
    %get3A_129 = arith.constant 3 : i32
    %get3A_130 = arith.index_cast %get3A_129 : i32 to index
    %get3A_131 = arith.constant 16 : index
    %get3A_132 = tpu.vector_load %arg8[%get3A_130, %get3A_131] {strides = array<i32>} : memref<8x32xf32, #tpu.memory_space<vmem>>, vector<1x16xf32>,
    %get3A_133 = vector.shape_cast %get3A_132 : vector<1x16xf32> to vector<16xf32>
    %add3A_134 = arith.addf %get3A_128, %get3A_133 : vector<16xf32>
    %swap3A_135 = arith.constant 3 : i32
    %swap3A_136 = arith.index_cast %swap3A_135 : i32 to index
    %swap3A_137 = arith.constant 16 : index
    %swap3A_138 = tpu.vector_load %arg7[%swap3A_136, %swap3A_137] {strides = array<i32>} : memref<32x32xf32, #tpu.memory_space<vmem>>, vector<1x16xf32>,
    %swap3A_139 = vector.shape_cast %swap3A_138 : vector<1x16xf32> to vector<16xf32>
    %swap3A_140 = vector.shape_cast %add3A_134 : vector<16xf32> to vector<1x16xf32>
    tpu.vector_store %arg7[%swap3A_136, %swap3A_137], %swap3A_140 {strides = array<i32>} : memref<32x32xf32, #tpu.memory_space<vmem>>, vector<1x16xf32>,
    %get3A_141 = arith.constant 4 : i32
    %get3A_142 = arith.index_cast %get3A_141 : i32 to index
    %get3A_143 = arith.constant 0 : index
    %get3A_144 = tpu.vector_load %arg7[%get3A_142, %get3A_143] {strides = array<i32>} : memref<32x32xf32, #tpu.memory_space<vmem>>, vector<1x16xf32>,
    %get3A_145 = vector.shape_cast %get3A_144 : vector<1x16xf32> to vector<16xf32>
    %get3A_146 = arith.constant 4 : i32
    %get3A_147 = arith.index_cast %get3A_146 : i32 to index
    %get3A_148 = arith.constant 0 : index
    %get3A_149 = tpu.vector_load %arg8[%get3A_147, %get3A_148] {strides = array<i32>} : memref<8x32xf32, #tpu.memory_space<vmem>>, vector<1x16xf32>,
    %get3A_150 = vector.shape_cast %get3A_149 : vector<1x16xf32> to vector<16xf32>
    %add3A_151 = arith.addf %get3A_145, %get3A_150 : vector<16xf32>
    %swap3A_152 = arith.constant 4 : i32
    %swap3A_153 = arith.index_cast %swap3A_152 : i32 to index
    %swap3A_154 = arith.constant 0 : index
    %swap3A_155 = tpu.vector_load %arg7[%swap3A_153, %swap3A_154] {strides = array<i32>} : memref<32x32xf32, #tpu.memory_space<vmem>>, vector<1x16xf32>,
    %swap3A_156 = vector.shape_cast %swap3A_155 : vector<1x16xf32> to vector<16xf32>
    %swap3A_157 = vector.shape_cast %add3A_151 : vector<16xf32> to vector<1x16xf32>
    tpu.vector_store %arg7[%swap3A_153, %swap3A_154], %swap3A_157 {strides = array<i32>} : memref<32x32xf32, #tpu.memory_space<vmem>>, vector<1x16xf32>,
    %get3A_158 = arith.constant 4 : i32
    %get3A_159 = arith.index_cast %get3A_158 : i32 to index
    %get3A_160 = arith.constant 16 : index
    %get3A_161 = tpu.vector_load %arg7[%get3A_159, %get3A_160] {strides = array<i32>} : memref<32x32xf32, #tpu.memory_space<vmem>>, vector<1x16xf32>,
    %get3A_162 = vector.shape_cast %get3A_161 : vector<1x16xf32> to vector<16xf32>
    %get3A_163 = arith.constant 4 : i32
    %get3A_164 = arith.index_cast %get3A_163 : i32 to index
    %get3A_165 = arith.constant 16 : index
    %get3A_166 = tpu.vector_load %arg8[%get3A_164, %get3A_165] {strides = array<i32>} : memref<8x32xf32, #tpu.memory_space<vmem>>, vector<1x16xf32>,
    %get3A_167 = vector.shape_cast %get3A_166 : vector<1x16xf32> to vector<16xf32>
    %add3A_168 = arith.addf %get3A_162, %get3A_167 : vector<16xf32>
    %swap3A_169 = arith.constant 4 : i32
    %swap3A_170 = arith.index_cast %swap3A_169 : i32 to index
    %swap3A_171 = arith.constant 16 : index
    %swap3A_172 = tpu.vector_load %arg7[%swap3A_170, %swap3A_171] {strides = array<i32>} : memref<32x32xf32, #tpu.memory_space<vmem>>, vector<1x16xf32>,
    %swap3A_173 = vector.shape_cast %swap3A_172 : vector<1x16xf32> to vector<16xf32>
    %swap3A_174 = vector.shape_cast %add3A_168 : vector<16xf32> to vector<1x16xf32>
    tpu.vector_store %arg7[%swap3A_170, %swap3A_171], %swap3A_174 {strides = array<i32>} : memref<32x32xf32, #tpu.memory_space<vmem>>, vector<1x16xf32>,
    %get3A_175 = arith.constant 5 : i32
    %get3A_176 = arith.index_cast %get3A_175 : i32 to index
    %get3A_177 = arith.constant 0 : index
    %get3A_178 = tpu.vector_load %arg7[%get3A_176, %get3A_177] {strides = array<i32>} : memref<32x32xf32, #tpu.memory_space<vmem>>, vector<1x16xf32>,
    %get3A_179 = vector.shape_cast %get3A_178 : vector<1x16xf32> to vector<16xf32>
    %get3A_180 = arith.constant 5 : i32
    %get3A_181 = arith.index_cast %get3A_180 : i32 to index
    %get3A_182 = arith.constant 0 : index
    %get3A_183 = tpu.vector_load %arg8[%get3A_181, %get3A_182] {strides = array<i32>} : memref<8x32xf32, #tpu.memory_space<vmem>>, vector<1x16xf32>,
    %get3A_184 = vector.shape_cast %get3A_183 : vector<1x16xf32> to vector<16xf32>
    %add3A_185 = arith.addf %get3A_179, %get3A_184 : vector<16xf32>
    %swap3A_186 = arith.constant 5 : i32
    %swap3A_187 = arith.index_cast %swap3A_186 : i32 to index
    %swap3A_188 = arith.constant 0 : index
    %swap3A_189 = tpu.vector_load %arg7[%swap3A_187, %swap3A_188] {strides = array<i32>} : memref<32x32xf32, #tpu.memory_space<vmem>>, vector<1x16xf32>,
    %swap3A_190 = vector.shape_cast %swap3A_189 : vector<1x16xf32> to vector<16xf32>
    %swap3A_191 = vector.shape_cast %add3A_185 : vector<16xf32> to vector<1x16xf32>
    tpu.vector_store %arg7[%swap3A_187, %swap3A_188], %swap3A_191 {strides = array<i32>} : memref<32x32xf32, #tpu.memory_space<vmem>>, vector<1x16xf32>,
    %get3A_192 = arith.constant 5 : i32
    %get3A_193 = arith.index_cast %get3A_192 : i32 to index
    %get3A_194 = arith.constant 16 : index
    %get3A_195 = tpu.vector_load %arg7[%get3A_193, %get3A_194] {strides = array<i32>} : memref<32x32xf32, #tpu.memory_space<vmem>>, vector<1x16xf32>,
    %get3A_196 = vector.shape_cast %get3A_195 : vector<1x16xf32> to vector<16xf32>
    %get3A_197 = arith.constant 5 : i32
    %get3A_198 = arith.index_cast %get3A_197 : i32 to index
    %get3A_199 = arith.constant 16 : index
    %get3A_200 = tpu.vector_load %arg8[%get3A_198, %get3A_199] {strides = array<i32>} : memref<8x32xf32, #tpu.memory_space<vmem>>, vector<1x16xf32>,
    %get3A_201 = vector.shape_cast %get3A_200 : vector<1x16xf32> to vector<16xf32>
    %add3A_202 = arith.addf %get3A_196, %get3A_201 : vector<16xf32>
    %swap3A_203 = arith.constant 5 : i32
    %swap3A_204 = arith.index_cast %swap3A_203 : i32 to index
    %swap3A_205 = arith.constant 16 : index
    %swap3A_206 = tpu.vector_load %arg7[%swap3A_204, %swap3A_205] {strides = array<i32>} : memref<32x32xf32, #tpu.memory_space<vmem>>, vector<1x16xf32>,
    %swap3A_207 = vector.shape_cast %swap3A_206 : vector<1x16xf32> to vector<16xf32>
    %swap3A_208 = vector.shape_cast %add3A_202 : vector<16xf32> to vector<1x16xf32>
    tpu.vector_store %arg7[%swap3A_204, %swap3A_205], %swap3A_208 {strides = array<i32>} : memref<32x32xf32, #tpu.memory_space<vmem>>, vector<1x16xf32>,
    %get3A_209 = arith.constant 6 : i32
    %get3A_210 = arith.index_cast %get3A_209 : i32 to index
    %get3A_211 = arith.constant 0 : index
    %get3A_212 = tpu.vector_load %arg7[%get3A_210, %get3A_211] {strides = array<i32>} : memref<32x32xf32, #tpu.memory_space<vmem>>, vector<1x16xf32>,
    %get3A_213 = vector.shape_cast %get3A_212 : vector<1x16xf32> to vector<16xf32>
    %get3A_214 = arith.constant 6 : i32
    %get3A_215 = arith.index_cast %get3A_214 : i32 to index
    %get3A_216 = arith.constant 0 : index
    %get3A_217 = tpu.vector_load %arg8[%get3A_215, %get3A_216] {strides = array<i32>} : memref<8x32xf32, #tpu.memory_space<vmem>>, vector<1x16xf32>,
    %get3A_218 = vector.shape_cast %get3A_217 : vector<1x16xf32> to vector<16xf32>
    %add3A_219 = arith.addf %get3A_213, %get3A_218 : vector<16xf32>
    %swap3A_220 = arith.constant 6 : i32
    %swap3A_221 = arith.index_cast %swap3A_220 : i32 to index
    %swap3A_222 = arith.constant 0 : index
    %swap3A_223 = tpu.vector_load %arg7[%swap3A_221, %swap3A_222] {strides = array<i32>} : memref<32x32xf32, #tpu.memory_space<vmem>>, vector<1x16xf32>,
    %swap3A_224 = vector.shape_cast %swap3A_223 : vector<1x16xf32> to vector<16xf32>
    %swap3A_225 = vector.shape_cast %add3A_219 : vector<16xf32> to vector<1x16xf32>
    tpu.vector_store %arg7[%swap3A_221, %swap3A_222], %swap3A_225 {strides = array<i32>} : memref<32x32xf32, #tpu.memory_space<vmem>>, vector<1x16xf32>,
    %get3A_226 = arith.constant 6 : i32
    %get3A_227 = arith.index_cast %get3A_226 : i32 to index
    %get3A_228 = arith.constant 16 : index
    %get3A_229 = tpu.vector_load %arg7[%get3A_227, %get3A_228] {strides = array<i32>} : memref<32x32xf32, #tpu.memory_space<vmem>>, vector<1x16xf32>,
    %get3A_230 = vector.shape_cast %get3A_229 : vector<1x16xf32> to vector<16xf32>
    %get3A_231 = arith.constant 6 : i32
    %get3A_232 = arith.index_cast %get3A_231 : i32 to index
    %get3A_233 = arith.constant 16 : index
    %get3A_234 = tpu.vector_load %arg8[%get3A_232, %get3A_233] {strides = array<i32>} : memref<8x32xf32, #tpu.memory_space<vmem>>, vector<1x16xf32>,
    %get3A_235 = vector.shape_cast %get3A_234 : vector<1x16xf32> to vector<16xf32>
    %add3A_236 = arith.addf %get3A_230, %get3A_235 : vector<16xf32>
    %swap3A_237 = arith.constant 6 : i32
    %swap3A_238 = arith.index_cast %swap3A_237 : i32 to index
    %swap3A_239 = arith.constant 16 : index
    %swap3A_240 = tpu.vector_load %arg7[%swap3A_238, %swap3A_239] {strides = array<i32>} : memref<32x32xf32, #tpu.memory_space<vmem>>, vector<1x16xf32>,
    %swap3A_241 = vector.shape_cast %swap3A_240 : vector<1x16xf32> to vector<16xf32>
    %swap3A_242 = vector.shape_cast %add3A_236 : vector<16xf32> to vector<1x16xf32>
    tpu.vector_store %arg7[%swap3A_238, %swap3A_239], %swap3A_242 {strides = array<i32>} : memref<32x32xf32, #tpu.memory_space<vmem>>, vector<1x16xf32>,
    %get3A_243 = arith.constant 7 : i32
    %get3A_244 = arith.index_cast %get3A_243 : i32 to index
    %get3A_245 = arith.constant 0 : index
    %get3A_246 = tpu.vector_load %arg7[%get3A_244, %get3A_245] {strides = array<i32>} : memref<32x32xf32, #tpu.memory_space<vmem>>, vector<1x16xf32>,
    %get3A_247 = vector.shape_cast %get3A_246 : vector<1x16xf32> to vector<16xf32>
    %get3A_248 = arith.constant 7 : i32
    %get3A_249 = arith.index_cast %get3A_248 : i32 to index
    %get3A_250 = arith.constant 0 : index
    %get3A_251 = tpu.vector_load %arg8[%get3A_249, %get3A_250] {strides = array<i32>} : memref<8x32xf32, #tpu.memory_space<vmem>>, vector<1x16xf32>,
    %get3A_252 = vector.shape_cast %get3A_251 : vector<1x16xf32> to vector<16xf32>
    %add3A_253 = arith.addf %get3A_247, %get3A_252 : vector<16xf32>
    %swap3A_254 = arith.constant 7 : i32
    %swap3A_255 = arith.index_cast %swap3A_254 : i32 to index
    %swap3A_256 = arith.constant 0 : index
    %swap3A_257 = tpu.vector_load %arg7[%swap3A_255, %swap3A_256] {strides = array<i32>} : memref<32x32xf32, #tpu.memory_space<vmem>>, vector<1x16xf32>,
    %swap3A_258 = vector.shape_cast %swap3A_257 : vector<1x16xf32> to vector<16xf32>
    %swap3A_259 = vector.shape_cast %add3A_253 : vector<16xf32> to vector<1x16xf32>
    tpu.vector_store %arg7[%swap3A_255, %swap3A_256], %swap3A_259 {strides = array<i32>} : memref<32x32xf32, #tpu.memory_space<vmem>>, vector<1x16xf32>,
    %get3A_260 = arith.constant 7 : i32
    %get3A_261 = arith.index_cast %get3A_260 : i32 to index
    %get3A_262 = arith.constant 16 : index
    %get3A_263 = tpu.vector_load %arg7[%get3A_261, %get3A_262] {strides = array<i32>} : memref<32x32xf32, #tpu.memory_space<vmem>>, vector<1x16xf32>,
    %get3A_264 = vector.shape_cast %get3A_263 : vector<1x16xf32> to vector<16xf32>
    %get3A_265 = arith.constant 7 : i32
    %get3A_266 = arith.index_cast %get3A_265 : i32 to index
    %get3A_267 = arith.constant 16 : index
    %get3A_268 = tpu.vector_load %arg8[%get3A_266, %get3A_267] {strides = array<i32>} : memref<8x32xf32, #tpu.memory_space<vmem>>, vector<1x16xf32>,
    %get3A_269 = vector.shape_cast %get3A_268 : vector<1x16xf32> to vector<16xf32>
    %add3A_270 = arith.addf %get3A_264, %get3A_269 : vector<16xf32>
    %swap3A_271 = arith.constant 7 : i32
    %swap3A_272 = arith.index_cast %swap3A_271 : i32 to index
    %swap3A_273 = arith.constant 16 : index
    %swap3A_274 = tpu.vector_load %arg7[%swap3A_272, %swap3A_273] {strides = array<i32>} : memref<32x32xf32, #tpu.memory_space<vmem>>, vector<1x16xf32>,
    %swap3A_275 = vector.shape_cast %swap3A_274 : vector<1x16xf32> to vector<16xf32>
    %swap3A_276 = vector.shape_cast %add3A_270 : vector<16xf32> to vector<1x16xf32>
    tpu.vector_store %arg7[%swap3A_272, %swap3A_273], %swap3A_276 {strides = array<i32>} : memref<32x32xf32, #tpu.memory_space<vmem>>, vector<1x16xf32>,
    %get3A_277 = arith.constant 8 : i32
    %get3A_278 = arith.index_cast %get3A_277 : i32 to index
    %get3A_279 = arith.constant 0 : index
    %get3A_280 = tpu.vector_load %arg7[%get3A_278, %get3A_279] {strides = array<i32>} : memref<32x32xf32, #tpu.memory_space<vmem>>, vector<1x16xf32>,
    %get3A_281 = vector.shape_cast %get3A_280 : vector<1x16xf32> to vector<16xf32>
    %get3A_282 = arith.constant 0 : i32
    %get3A_283 = arith.index_cast %get3A_282 : i32 to index
    %get3A_284 = arith.constant 0 : index
    %get3A_285 = tpu.vector_load %arg8[%get3A_283, %get3A_284] {strides = array<i32>} : memref<8x32xf32, #tpu.memory_space<vmem>>, vector<1x16xf32>,
    %get3A_286 = vector.shape_cast %get3A_285 : vector<1x16xf32> to vector<16xf32>
    %add3A_287 = arith.addf %get3A_281, %get3A_286 : vector<16xf32>
    %swap3A_288 = arith.constant 8 : i32
    %swap3A_289 = arith.index_cast %swap3A_288 : i32 to index
    %swap3A_290 = arith.constant 0 : index
    %swap3A_291 = tpu.vector_load %arg7[%swap3A_289, %swap3A_290] {strides = array<i32>} : memref<32x32xf32, #tpu.memory_space<vmem>>, vector<1x16xf32>,
    %swap3A_292 = vector.shape_cast %swap3A_291 : vector<1x16xf32> to vector<16xf32>
    %swap3A_293 = vector.shape_cast %add3A_287 : vector<16xf32> to vector<1x16xf32>
    tpu.vector_store %arg7[%swap3A_289, %swap3A_290], %swap3A_293 {strides = array<i32>} : memref<32x32xf32, #tpu.memory_space<vmem>>, vector<1x16xf32>,
    %get3A_294 = arith.constant 8 : i32
    %get3A_295 = arith.index_cast %get3A_294 : i32 to index
    %get3A_296 = arith.constant 16 : index
    %get3A_297 = tpu.vector_load %arg7[%get3A_295, %get3A_296] {strides = array<i32>} : memref<32x32xf32, #tpu.memory_space<vmem>>, vector<1x16xf32>,
    %get3A_298 = vector.shape_cast %get3A_297 : vector<1x16xf32> to vector<16xf32>
    %get3A_299 = arith.constant 0 : i32
    %get3A_300 = arith.index_cast %get3A_299 : i32 to index
    %get3A_301 = arith.constant 16 : index
    %get3A_302 = tpu.vector_load %arg8[%get3A_300, %get3A_301] {strides = array<i32>} : memref<8x32xf32, #tpu.memory_space<vmem>>, vector<1x16xf32>,
    %get3A_303 = vector.shape_cast %get3A_302 : vector<1x16xf32> to vector<16xf32>
    %add3A_304 = arith.addf %get3A_298, %get3A_303 : vector<16xf32>
    %swap3A_305 = arith.constant 8 : i32
    %swap3A_306 = arith.index_cast %swap3A_305 : i32 to index
    %swap3A_307 = arith.constant 16 : index
    %swap3A_308 = tpu.vector_load %arg7[%swap3A_306, %swap3A_307] {strides = array<i32>} : memref<32x32xf32, #tpu.memory_space<vmem>>, vector<1x16xf32>,
    %swap3A_309 = vector.shape_cast %swap3A_308 : vector<1x16xf32> to vector<16xf32>
    %swap3A_310 = vector.shape_cast %add3A_304 : vector<16xf32> to vector<1x16xf32>
    tpu.vector_store %arg7[%swap3A_306, %swap3A_307], %swap3A_310 {strides = array<i32>} : memref<32x32xf32, #tpu.memory_space<vmem>>, vector<1x16xf32>,
    %get3A_311 = arith.constant 9 : i32
    %get3A_312 = arith.index_cast %get3A_311 : i32 to index
    %get3A_313 = arith.constant 0 : index
    %get3A_314 = tpu.vector_load %arg7[%get3A_312, %get3A_313] {strides = array<i32>} : memref<32x32xf32, #tpu.memory_space<vmem>>, vector<1x16xf32>,
    %get3A_315 = vector.shape_cast %get3A_314 : vector<1x16xf32> to vector<16xf32>
    %get3A_316 = arith.constant 1 : i32
    %get3A_317 = arith.index_cast %get3A_316 : i32 to index
    %get3A_318 = arith.constant 0 : index
    %get3A_319 = tpu.vector_load %arg8[%get3A_317, %get3A_318] {strides = array<i32>} : memref<8x32xf32, #tpu.memory_space<vmem>>, vector<1x16xf32>,
    %get3A_320 = vector.shape_cast %get3A_319 : vector<1x16xf32> to vector<16xf32>
    %add3A_321 = arith.addf %get3A_315, %get3A_320 : vector<16xf32>
    %swap3A_322 = arith.constant 9 : i32
    %swap3A_323 = arith.index_cast %swap3A_322 : i32 to index
    %swap3A_324 = arith.constant 0 : index
    %swap3A_325 = tpu.vector_load %arg7[%swap3A_323, %swap3A_324] {strides = array<i32>} : memref<32x32xf32, #tpu.memory_space<vmem>>, vector<1x16xf32>,
    %swap3A_326 = vector.shape_cast %swap3A_325 : vector<1x16xf32> to vector<16xf32>
    %swap3A_327 = vector.shape_cast %add3A_321 : vector<16xf32> to vector<1x16xf32>
    tpu.vector_store %arg7[%swap3A_323, %swap3A_324], %swap3A_327 {strides = array<i32>} : memref<32x32xf32, #tpu.memory_space<vmem>>, vector<1x16xf32>,
    %get3A_328 = arith.constant 9 : i32
    %get3A_329 = arith.index_cast %get3A_328 : i32 to index
    %get3A_330 = arith.constant 16 : index
    %get3A_331 = tpu.vector_load %arg7[%get3A_329, %get3A_330] {strides = array<i32>} : memref<32x32xf32, #tpu.memory_space<vmem>>, vector<1x16xf32>,
    %get3A_332 = vector.shape_cast %get3A_331 : vector<1x16xf32> to vector<16xf32>
    %get3A_333 = arith.constant 1 : i32
    %get3A_334 = arith.index_cast %get3A_333 : i32 to index
    %get3A_335 = arith.constant 16 : index
    %get3A_336 = tpu.vector_load %arg8[%get3A_334, %get3A_335] {strides = array<i32>} : memref<8x32xf32, #tpu.memory_space<vmem>>, vector<1x16xf32>,
    %get3A_337 = vector.shape_cast %get3A_336 : vector<1x16xf32> to vector<16xf32>
    %add3A_338 = arith.addf %get3A_332, %get3A_337 : vector<16xf32>
    %swap3A_339 = arith.constant 9 : i32
    %swap3A_340 = arith.index_cast %swap3A_339 : i32 to index
    %swap3A_341 = arith.constant 16 : index
    %swap3A_342 = tpu.vector_load %arg7[%swap3A_340, %swap3A_341] {strides = array<i32>} : memref<32x32xf32, #tpu.memory_space<vmem>>, vector<1x16xf32>,
    %swap3A_343 = vector.shape_cast %swap3A_342 : vector<1x16xf32> to vector<16xf32>
    %swap3A_344 = vector.shape_cast %add3A_338 : vector<16xf32> to vector<1x16xf32>
    tpu.vector_store %arg7[%swap3A_340, %swap3A_341], %swap3A_344 {strides = array<i32>} : memref<32x32xf32, #tpu.memory_space<vmem>>, vector<1x16xf32>,
    %get3A_345 = arith.constant 10 : i32
    %get3A_346 = arith.index_cast %get3A_345 : i32 to index
    %get3A_347 = arith.constant 0 : index
    %get3A_348 = tpu.vector_load %arg7[%get3A_346, %get3A_347] {strides = array<i32>} : memref<32x32xf32, #tpu.memory_space<vmem>>, vector<1x16xf32>,
    %get3A_349 = vector.shape_cast %get3A_348 : vector<1x16xf32> to vector<16xf32>
    %get3A_350 = arith.constant 2 : i32
    %get3A_351 = arith.index_cast %get3A_350 : i32 to index
    %get3A_352 = arith.constant 0 : index
    %get3A_353 = tpu.vector_load %arg8[%get3A_351, %get3A_352] {strides = array<i32>} : memref<8x32xf32, #tpu.memory_space<vmem>>, vector<1x16xf32>,
    %get3A_354 = vector.shape_cast %get3A_353 : vector<1x16xf32> to vector<16xf32>
    %add3A_355 = arith.addf %get3A_349, %get3A_354 : vector<16xf32>
    %swap3A_356 = arith.constant 10 : i32
    %swap3A_357 = arith.index_cast %swap3A_356 : i32 to index
    %swap3A_358 = arith.constant 0 : index
    %swap3A_359 = tpu.vector_load %arg7[%swap3A_357, %swap3A_358] {strides = array<i32>} : memref<32x32xf32, #tpu.memory_space<vmem>>, vector<1x16xf32>,
    %swap3A_360 = vector.shape_cast %swap3A_359 : vector<1x16xf32> to vector<16xf32>
    %swap3A_361 = vector.shape_cast %add3A_355 : vector<16xf32> to vector<1x16xf32>
    tpu.vector_store %arg7[%swap3A_357, %swap3A_358], %swap3A_361 {strides = array<i32>} : memref<32x32xf32, #tpu.memory_space<vmem>>, vector<1x16xf32>,
    %get3A_362 = arith.constant 10 : i32
    %get3A_363 = arith.index_cast %get3A_362 : i32 to index
    %get3A_364 = arith.constant 16 : index
    %get3A_365 = tpu.vector_load %arg7[%get3A_363, %get3A_364] {strides = array<i32>} : memref<32x32xf32, #tpu.memory_space<vmem>>, vector<1x16xf32>,
    %get3A_366 = vector.shape_cast %get3A_365 : vector<1x16xf32> to vector<16xf32>
    %get3A_367 = arith.constant 2 : i32
    %get3A_368 = arith.index_cast %get3A_367 : i32 to index
    %get3A_369 = arith.constant 16 : index
    %get3A_370 = tpu.vector_load %arg8[%get3A_368, %get3A_369] {strides = array<i32>} : memref<8x32xf32, #tpu.memory_space<vmem>>, vector<1x16xf32>,
    %get3A_371 = vector.shape_cast %get3A_370 : vector<1x16xf32> to vector<16xf32>
    %add3A_372 = arith.addf %get3A_366, %get3A_371 : vector<16xf32>
    %swap3A_373 = arith.constant 10 : i32
    %swap3A_374 = arith.index_cast %swap3A_373 : i32 to index
    %swap3A_375 = arith.constant 16 : index
    %swap3A_376 = tpu.vector_load %arg7[%swap3A_374, %swap3A_375] {strides = array<i32>} : memref<32x32xf32, #tpu.memory_space<vmem>>, vector<1x16xf32>,
    %swap3A_377 = vector.shape_cast %swap3A_376 : vector<1x16xf32> to vector<16xf32>
    %swap3A_378 = vector.shape_cast %add3A_372 : vector<16xf32> to vector<1x16xf32>
    tpu.vector_store %arg7[%swap3A_374, %swap3A_375], %swap3A_378 {strides = array<i32>} : memref<32x32xf32, #tpu.memory_space<vmem>>, vector<1x16xf32>,
    %get3A_379 = arith.constant 11 : i32
    %get3A_380 = arith.index_cast %get3A_379 : i32 to index
    %get3A_381 = arith.constant 0 : index
    %get3A_382 = tpu.vector_load %arg7[%get3A_380, %get3A_381] {strides = array<i32>} : memref<32x32xf32, #tpu.memory_space<vmem>>, vector<1x16xf32>,
    %get3A_383 = vector.shape_cast %get3A_382 : vector<1x16xf32> to vector<16xf32>
    %get3A_384 = arith.constant 3 : i32
    %get3A_385 = arith.index_cast %get3A_384 : i32 to index
    %get3A_386 = arith.constant 0 : index
    %get3A_387 = tpu.vector_load %arg8[%get3A_385, %get3A_386] {strides = array<i32>} : memref<8x32xf32, #tpu.memory_space<vmem>>, vector<1x16xf32>,
    %get3A_388 = vector.shape_cast %get3A_387 : vector<1x16xf32> to vector<16xf32>
    %add3A_389 = arith.addf %get3A_383, %get3A_388 : vector<16xf32>
    %swap3A_390 = arith.constant 11 : i32
    %swap3A_391 = arith.index_cast %swap3A_390 : i32 to index
    %swap3A_392 = arith.constant 0 : index
    %swap3A_393 = tpu.vector_load %arg7[%swap3A_391, %swap3A_392] {strides = array<i32>} : memref<32x32xf32, #tpu.memory_space<vmem>>, vector<1x16xf32>,
    %swap3A_394 = vector.shape_cast %swap3A_393 : vector<1x16xf32> to vector<16xf32>
    %swap3A_395 = vector.shape_cast %add3A_389 : vector<16xf32> to vector<1x16xf32>
    tpu.vector_store %arg7[%swap3A_391, %swap3A_392], %swap3A_395 {strides = array<i32>} : memref<32x32xf32, #tpu.memory_space<vmem>>, vector<1x16xf32>,
    %get3A_396 = arith.constant 11 : i32
    %get3A_397 = arith.index_cast %get3A_396 : i32 to index
    %get3A_398 = arith.constant 16 : index
    %get3A_399 = tpu.vector_load %arg7[%get3A_397, %get3A_398] {strides = array<i32>} : memref<32x32xf32, #tpu.memory_space<vmem>>, vector<1x16xf32>,
    %get3A_400 = vector.shape_cast %get3A_399 : vector<1x16xf32> to vector<16xf32>
    %get3A_401 = arith.constant 3 : i32
    %get3A_402 = arith.index_cast %get3A_401 : i32 to index
    %get3A_403 = arith.constant 16 : index
    %get3A_404 = tpu.vector_load %arg8[%get3A_402, %get3A_403] {strides = array<i32>} : memref<8x32xf32, #tpu.memory_space<vmem>>, vector<1x16xf32>,
    %get3A_405 = vector.shape_cast %get3A_404 : vector<1x16xf32> to vector<16xf32>
    %add3A_406 = arith.addf %get3A_400, %get3A_405 : vector<16xf32>
    %swap3A_407 = arith.constant 11 : i32
    %swap3A_408 = arith.index_cast %swap3A_407 : i32 to index
    %swap3A_409 = arith.constant 16 : index
    %swap3A_410 = tpu.vector_load %arg7[%swap3A_408, %swap3A_409] {strides = array<i32>} : memref<32x32xf32, #tpu.memory_space<vmem>>, vector<1x16xf32>,
    %swap3A_411 = vector.shape_cast %swap3A_410 : vector<1x16xf32> to vector<16xf32>
    %swap3A_412 = vector.shape_cast %add3A_406 : vector<16xf32> to vector<1x16xf32>
    tpu.vector_store %arg7[%swap3A_408, %swap3A_409], %swap3A_412 {strides = array<i32>} : memref<32x32xf32, #tpu.memory_space<vmem>>, vector<1x16xf32>,
    %get3A_413 = arith.constant 12 : i32
    %get3A_414 = arith.index_cast %get3A_413 : i32 to index
    %get3A_415 = arith.constant 0 : index
    %get3A_416 = tpu.vector_load %arg7[%get3A_414, %get3A_415] {strides = array<i32>} : memref<32x32xf32, #tpu.memory_space<vmem>>, vector<1x16xf32>,
    %get3A_417 = vector.shape_cast %get3A_416 : vector<1x16xf32> to vector<16xf32>
    %get3A_418 = arith.constant 4 : i32
    %get3A_419 = arith.index_cast %get3A_418 : i32 to index
    %get3A_420 = arith.constant 0 : index
    %get3A_421 = tpu.vector_load %arg8[%get3A_419, %get3A_420] {strides = array<i32>} : memref<8x32xf32, #tpu.memory_space<vmem>>, vector<1x16xf32>,
    %get3A_422 = vector.shape_cast %get3A_421 : vector<1x16xf32> to vector<16xf32>
    %add3A_423 = arith.addf %get3A_417, %get3A_422 : vector<16xf32>
    %swap3A_424 = arith.constant 12 : i32
    %swap3A_425 = arith.index_cast %swap3A_424 : i32 to index
    %swap3A_426 = arith.constant 0 : index
    %swap3A_427 = tpu.vector_load %arg7[%swap3A_425, %swap3A_426] {strides = array<i32>} : memref<32x32xf32, #tpu.memory_space<vmem>>, vector<1x16xf32>,
    %swap3A_428 = vector.shape_cast %swap3A_427 : vector<1x16xf32> to vector<16xf32>
    %swap3A_429 = vector.shape_cast %add3A_423 : vector<16xf32> to vector<1x16xf32>
    tpu.vector_store %arg7[%swap3A_425, %swap3A_426], %swap3A_429 {strides = array<i32>} : memref<32x32xf32, #tpu.memory_space<vmem>>, vector<1x16xf32>,
    %get3A_430 = arith.constant 12 : i32
    %get3A_431 = arith.index_cast %get3A_430 : i32 to index
    %get3A_432 = arith.constant 16 : index
    %get3A_433 = tpu.vector_load %arg7[%get3A_431, %get3A_432] {strides = array<i32>} : memref<32x32xf32, #tpu.memory_space<vmem>>, vector<1x16xf32>,
    %get3A_434 = vector.shape_cast %get3A_433 : vector<1x16xf32> to vector<16xf32>
    %get3A_435 = arith.constant 4 : i32
    %get3A_436 = arith.index_cast %get3A_435 : i32 to index
    %get3A_437 = arith.constant 16 : index
    %get3A_438 = tpu.vector_load %arg8[%get3A_436, %get3A_437] {strides = array<i32>} : memref<8x32xf32, #tpu.memory_space<vmem>>, vector<1x16xf32>,
    %get3A_439 = vector.shape_cast %get3A_438 : vector<1x16xf32> to vector<16xf32>
    %add3A_440 = arith.addf %get3A_434, %get3A_439 : vector<16xf32>
    %swap3A_441 = arith.constant 12 : i32
    %swap3A_442 = arith.index_cast %swap3A_441 : i32 to index
    %swap3A_443 = arith.constant 16 : index
    %swap3A_444 = tpu.vector_load %arg7[%swap3A_442, %swap3A_443] {strides = array<i32>} : memref<32x32xf32, #tpu.memory_space<vmem>>, vector<1x16xf32>,
    %swap3A_445 = vector.shape_cast %swap3A_444 : vector<1x16xf32> to vector<16xf32>
    %swap3A_446 = vector.shape_cast %add3A_440 : vector<16xf32> to vector<1x16xf32>
    tpu.vector_store %arg7[%swap3A_442, %swap3A_443], %swap3A_446 {strides = array<i32>} : memref<32x32xf32, #tpu.memory_space<vmem>>, vector<1x16xf32>,
    %get3A_447 = arith.constant 13 : i32
    %get3A_448 = arith.index_cast %get3A_447 : i32 to index
    %get3A_449 = arith.constant 0 : index
    %get3A_450 = tpu.vector_load %arg7[%get3A_448, %get3A_449] {strides = array<i32>} : memref<32x32xf32, #tpu.memory_space<vmem>>, vector<1x16xf32>,
    %get3A_451 = vector.shape_cast %get3A_450 : vector<1x16xf32> to vector<16xf32>
    %get3A_452 = arith.constant 5 : i32
    %get3A_453 = arith.index_cast %get3A_452 : i32 to index
    %get3A_454 = arith.constant 0 : index
    %get3A_455 = tpu.vector_load %arg8[%get3A_453, %get3A_454] {strides = array<i32>} : memref<8x32xf32, #tpu.memory_space<vmem>>, vector<1x16xf32>,
    %get3A_456 = vector.shape_cast %get3A_455 : vector<1x16xf32> to vector<16xf32>
    %add3A_457 = arith.addf %get3A_451, %get3A_456 : vector<16xf32>
    %swap3A_458 = arith.constant 13 : i32
    %swap3A_459 = arith.index_cast %swap3A_458 : i32 to index
    %swap3A_460 = arith.constant 0 : index
    %swap3A_461 = tpu.vector_load %arg7[%swap3A_459, %swap3A_460] {strides = array<i32>} : memref<32x32xf32, #tpu.memory_space<vmem>>, vector<1x16xf32>,
    %swap3A_462 = vector.shape_cast %swap3A_461 : vector<1x16xf32> to vector<16xf32>
    %swap3A_463 = vector.shape_cast %add3A_457 : vector<16xf32> to vector<1x16xf32>
    tpu.vector_store %arg7[%swap3A_459, %swap3A_460], %swap3A_463 {strides = array<i32>} : memref<32x32xf32, #tpu.memory_space<vmem>>, vector<1x16xf32>,
    %get3A_464 = arith.constant 13 : i32
    %get3A_465 = arith.index_cast %get3A_464 : i32 to index
    %get3A_466 = arith.constant 16 : index
    %get3A_467 = tpu.vector_load %arg7[%get3A_465, %get3A_466] {strides = array<i32>} : memref<32x32xf32, #tpu.memory_space<vmem>>, vector<1x16xf32>,
    %get3A_468 = vector.shape_cast %get3A_467 : vector<1x16xf32> to vector<16xf32>
    %get3A_469 = arith.constant 5 : i32
    %get3A_470 = arith.index_cast %get3A_469 : i32 to index
    %get3A_471 = arith.constant 16 : index
    %get3A_472 = tpu.vector_load %arg8[%get3A_470, %get3A_471] {strides = array<i32>} : memref<8x32xf32, #tpu.memory_space<vmem>>, vector<1x16xf32>,
    %get3A_473 = vector.shape_cast %get3A_472 : vector<1x16xf32> to vector<16xf32>
    %add3A_474 = arith.addf %get3A_468, %get3A_473 : vector<16xf32>
    %swap3A_475 = arith.constant 13 : i32
    %swap3A_476 = arith.index_cast %swap3A_475 : i32 to index
    %swap3A_477 = arith.constant 16 : index
    %swap3A_478 = tpu.vector_load %arg7[%swap3A_476, %swap3A_477] {strides = array<i32>} : memref<32x32xf32, #tpu.memory_space<vmem>>, vector<1x16xf32>,
    %swap3A_479 = vector.shape_cast %swap3A_478 : vector<1x16xf32> to vector<16xf32>
    %swap3A_480 = vector.shape_cast %add3A_474 : vector<16xf32> to vector<1x16xf32>
    tpu.vector_store %arg7[%swap3A_476, %swap3A_477], %swap3A_480 {strides = array<i32>} : memref<32x32xf32, #tpu.memory_space<vmem>>, vector<1x16xf32>,
    %get3A_481 = arith.constant 14 : i32
    %get3A_482 = arith.index_cast %get3A_481 : i32 to index
    %get3A_483 = arith.constant 0 : index
    %get3A_484 = tpu.vector_load %arg7[%get3A_482, %get3A_483] {strides = array<i32>} : memref<32x32xf32, #tpu.memory_space<vmem>>, vector<1x16xf32>,
    %get3A_485 = vector.shape_cast %get3A_484 : vector<1x16xf32> to vector<16xf32>
    %get3A_486 = arith.constant 6 : i32
    %get3A_487 = arith.index_cast %get3A_486 : i32 to index
    %get3A_488 = arith.constant 0 : index
    %get3A_489 = tpu.vector_load %arg8[%get3A_487, %get3A_488] {strides = array<i32>} : memref<8x32xf32, #tpu.memory_space<vmem>>, vector<1x16xf32>,
    %get3A_490 = vector.shape_cast %get3A_489 : vector<1x16xf32> to vector<16xf32>
    %add3A_491 = arith.addf %get3A_485, %get3A_490 : vector<16xf32>
    %swap3A_492 = arith.constant 14 : i32
    %swap3A_493 = arith.index_cast %swap3A_492 : i32 to index
    %swap3A_494 = arith.constant 0 : index
    %swap3A_495 = tpu.vector_load %arg7[%swap3A_493, %swap3A_494] {strides = array<i32>} : memref<32x32xf32, #tpu.memory_space<vmem>>, vector<1x16xf32>,
    %swap3A_496 = vector.shape_cast %swap3A_495 : vector<1x16xf32> to vector<16xf32>
    %swap3A_497 = vector.shape_cast %add3A_491 : vector<16xf32> to vector<1x16xf32>
    tpu.vector_store %arg7[%swap3A_493, %swap3A_494], %swap3A_497 {strides = array<i32>} : memref<32x32xf32, #tpu.memory_space<vmem>>, vector<1x16xf32>,
    %get3A_498 = arith.constant 14 : i32
    %get3A_499 = arith.index_cast %get3A_498 : i32 to index
    %get3A_500 = arith.constant 16 : index
    %get3A_501 = tpu.vector_load %arg7[%get3A_499, %get3A_500] {strides = array<i32>} : memref<32x32xf32, #tpu.memory_space<vmem>>, vector<1x16xf32>,
    %get3A_502 = vector.shape_cast %get3A_501 : vector<1x16xf32> to vector<16xf32>
    %get3A_503 = arith.constant 6 : i32
    %get3A_504 = arith.index_cast %get3A_503 : i32 to index
    %get3A_505 = arith.constant 16 : index
    %get3A_506 = tpu.vector_load %arg8[%get3A_504, %get3A_505] {strides = array<i32>} : memref<8x32xf32, #tpu.memory_space<vmem>>, vector<1x16xf32>,
    %get3A_507 = vector.shape_cast %get3A_506 : vector<1x16xf32> to vector<16xf32>
    %add3A_508 = arith.addf %get3A_502, %get3A_507 : vector<16xf32>
    %swap3A_509 = arith.constant 14 : i32
    %swap3A_510 = arith.index_cast %swap3A_509 : i32 to index
    %swap3A_511 = arith.constant 16 : index
    %swap3A_512 = tpu.vector_load %arg7[%swap3A_510, %swap3A_511] {strides = array<i32>} : memref<32x32xf32, #tpu.memory_space<vmem>>, vector<1x16xf32>,
    %swap3A_513 = vector.shape_cast %swap3A_512 : vector<1x16xf32> to vector<16xf32>
    %swap3A_514 = vector.shape_cast %add3A_508 : vector<16xf32> to vector<1x16xf32>
    tpu.vector_store %arg7[%swap3A_510, %swap3A_511], %swap3A_514 {strides = array<i32>} : memref<32x32xf32, #tpu.memory_space<vmem>>, vector<1x16xf32>,
    %get3A_515 = arith.constant 15 : i32
    %get3A_516 = arith.index_cast %get3A_515 : i32 to index
    %get3A_517 = arith.constant 0 : index
    %get3A_518 = tpu.vector_load %arg7[%get3A_516, %get3A_517] {strides = array<i32>} : memref<32x32xf32, #tpu.memory_space<vmem>>, vector<1x16xf32>,
    %get3A_519 = vector.shape_cast %get3A_518 : vector<1x16xf32> to vector<16xf32>
    %get3A_520 = arith.constant 7 : i32
    %get3A_521 = arith.index_cast %get3A_520 : i32 to index
    %get3A_522 = arith.constant 0 : index
    %get3A_523 = tpu.vector_load %arg8[%get3A_521, %get3A_522] {strides = array<i32>} : memref<8x32xf32, #tpu.memory_space<vmem>>, vector<1x16xf32>,
    %get3A_524 = vector.shape_cast %get3A_523 : vector<1x16xf32> to vector<16xf32>
    %add3A_525 = arith.addf %get3A_519, %get3A_524 : vector<16xf32>
    %swap3A_526 = arith.constant 15 : i32
    %swap3A_527 = arith.index_cast %swap3A_526 : i32 to index
    %swap3A_528 = arith.constant 0 : index
    %swap3A_529 = tpu.vector_load %arg7[%swap3A_527, %swap3A_528] {strides = array<i32>} : memref<32x32xf32, #tpu.memory_space<vmem>>, vector<1x16xf32>,
    %swap3A_530 = vector.shape_cast %swap3A_529 : vector<1x16xf32> to vector<16xf32>
    %swap3A_531 = vector.shape_cast %add3A_525 : vector<16xf32> to vector<1x16xf32>
    tpu.vector_store %arg7[%swap3A_527, %swap3A_528], %swap3A_531 {strides = array<i32>} : memref<32x32xf32, #tpu.memory_space<vmem>>, vector<1x16xf32>,
    %get3A_532 = arith.constant 15 : i32
    %get3A_533 = arith.index_cast %get3A_532 : i32 to index
    %get3A_534 = arith.constant 16 : index
    %get3A_535 = tpu.vector_load %arg7[%get3A_533, %get3A_534] {strides = array<i32>} : memref<32x32xf32, #tpu.memory_space<vmem>>, vector<1x16xf32>,
    %get3A_536 = vector.shape_cast %get3A_535 : vector<1x16xf32> to vector<16xf32>
    %get3A_537 = arith.constant 7 : i32
    %get3A_538 = arith.index_cast %get3A_537 : i32 to index
    %get3A_539 = arith.constant 16 : index
    %get3A_540 = tpu.vector_load %arg8[%get3A_538, %get3A_539] {strides = array<i32>} : memref<8x32xf32, #tpu.memory_space<vmem>>, vector<1x16xf32>,
    %get3A_541 = vector.shape_cast %get3A_540 : vector<1x16xf32> to vector<16xf32>
    %add3A_542 = arith.addf %get3A_536, %get3A_541 : vector<16xf32>
    %swap3A_543 = arith.constant 15 : i32
    %swap3A_544 = arith.index_cast %swap3A_543 : i32 to index
    %swap3A_545 = arith.constant 16 : index
    %swap3A_546 = tpu.vector_load %arg7[%swap3A_544, %swap3A_545] {strides = array<i32>} : memref<32x32xf32, #tpu.memory_space<vmem>>, vector<1x16xf32>,
    %swap3A_547 = vector.shape_cast %swap3A_546 : vector<1x16xf32> to vector<16xf32>
    %swap3A_548 = vector.shape_cast %add3A_542 : vector<16xf32> to vector<1x16xf32>
    tpu.vector_store %arg7[%swap3A_544, %swap3A_545], %swap3A_548 {strides = array<i32>} : memref<32x32xf32, #tpu.memory_space<vmem>>, vector<1x16xf32>,
    %get3A_549 = arith.constant 16 : i32
    %get3A_550 = arith.index_cast %get3A_549 : i32 to index
    %get3A_551 = arith.constant 0 : index
    %get3A_552 = tpu.vector_load %arg7[%get3A_550, %get3A_551] {strides = array<i32>} : memref<32x32xf32, #tpu.memory_space<vmem>>, vector<1x16xf32>,
    %get3A_553 = vector.shape_cast %get3A_552 : vector<1x16xf32> to vector<16xf32>
    %get3A_554 = arith.constant 0 : i32
    %get3A_555 = arith.index_cast %get3A_554 : i32 to index
    %get3A_556 = arith.constant 0 : index
    %get3A_557 = tpu.vector_load %arg8[%get3A_555, %get3A_556] {strides = array<i32>} : memref<8x32xf32, #tpu.memory_space<vmem>>, vector<1x16xf32>,
    %get3A_558 = vector.shape_cast %get3A_557 : vector<1x16xf32> to vector<16xf32>
    %add3A_559 = arith.addf %get3A_553, %get3A_558 : vector<16xf32>
    %swap3A_560 = arith.constant 16 : i32
    %swap3A_561 = arith.index_cast %swap3A_560 : i32 to index
    %swap3A_562 = arith.constant 0 : index
    %swap3A_563 = tpu.vector_load %arg7[%swap3A_561, %swap3A_562] {strides = array<i32>} : memref<32x32xf32, #tpu.memory_space<vmem>>, vector<1x16xf32>,
    %swap3A_564 = vector.shape_cast %swap3A_563 : vector<1x16xf32> to vector<16xf32>
    %swap3A_565 = vector.shape_cast %add3A_559 : vector<16xf32> to vector<1x16xf32>
    tpu.vector_store %arg7[%swap3A_561, %swap3A_562], %swap3A_565 {strides = array<i32>} : memref<32x32xf32, #tpu.memory_space<vmem>>, vector<1x16xf32>,
    %get3A_566 = arith.constant 16 : i32
    %get3A_567 = arith.index_cast %get3A_566 : i32 to index
    %get3A_568 = arith.constant 16 : index
    %get3A_569 = tpu.vector_load %arg7[%get3A_567, %get3A_568] {strides = array<i32>} : memref<32x32xf32, #tpu.memory_space<vmem>>, vector<1x16xf32>,
    %get3A_570 = vector.shape_cast %get3A_569 : vector<1x16xf32> to vector<16xf32>
    %get3A_571 = arith.constant 0 : i32
    %get3A_572 = arith.index_cast %get3A_571 : i32 to index
    %get3A_573 = arith.constant 16 : index
    %get3A_574 = tpu.vector_load %arg8[%get3A_572, %get3A_573] {strides = array<i32>} : memref<8x32xf32, #tpu.memory_space<vmem>>, vector<1x16xf32>,
    %get3A_575 = vector.shape_cast %get3A_574 : vector<1x16xf32> to vector<16xf32>
    %add3A_576 = arith.addf %get3A_570, %get3A_575 : vector<16xf32>
    %swap3A_577 = arith.constant 16 : i32
    %swap3A_578 = arith.index_cast %swap3A_577 : i32 to index
    %swap3A_579 = arith.constant 16 : index
    %swap3A_580 = tpu.vector_load %arg7[%swap3A_578, %swap3A_579] {strides = array<i32>} : memref<32x32xf32, #tpu.memory_space<vmem>>, vector<1x16xf32>,
    %swap3A_581 = vector.shape_cast %swap3A_580 : vector<1x16xf32> to vector<16xf32>
    %swap3A_582 = vector.shape_cast %add3A_576 : vector<16xf32> to vector<1x16xf32>
    tpu.vector_store %arg7[%swap3A_578, %swap3A_579], %swap3A_582 {strides = array<i32>} : memref<32x32xf32, #tpu.memory_space<vmem>>, vector<1x16xf32>,
    %get3A_583 = arith.constant 17 : i32
    %get3A_584 = arith.index_cast %get3A_583 : i32 to index
    %get3A_585 = arith.constant 0 : index
    %get3A_586 = tpu.vector_load %arg7[%get3A_584, %get3A_585] {strides = array<i32>} : memref<32x32xf32, #tpu.memory_space<vmem>>, vector<1x16xf32>,
    %get3A_587 = vector.shape_cast %get3A_586 : vector<1x16xf32> to vector<16xf32>
    %get3A_588 = arith.constant 1 : i32
    %get3A_589 = arith.index_cast %get3A_588 : i32 to index
    %get3A_590 = arith.constant 0 : index
    %get3A_591 = tpu.vector_load %arg8[%get3A_589, %get3A_590] {strides = array<i32>} : memref<8x32xf32, #tpu.memory_space<vmem>>, vector<1x16xf32>,
    %get3A_592 = vector.shape_cast %get3A_591 : vector<1x16xf32> to vector<16xf32>
    %add3A_593 = arith.addf %get3A_587, %get3A_592 : vector<16xf32>
    %swap3A_594 = arith.constant 17 : i32
    %swap3A_595 = arith.index_cast %swap3A_594 : i32 to index
    %swap3A_596 = arith.constant 0 : index
    %swap3A_597 = tpu.vector_load %arg7[%swap3A_595, %swap3A_596] {strides = array<i32>} : memref<32x32xf32, #tpu.memory_space<vmem>>, vector<1x16xf32>,
    %swap3A_598 = vector.shape_cast %swap3A_597 : vector<1x16xf32> to vector<16xf32>
    %swap3A_599 = vector.shape_cast %add3A_593 : vector<16xf32> to vector<1x16xf32>
    tpu.vector_store %arg7[%swap3A_595, %swap3A_596], %swap3A_599 {strides = array<i32>} : memref<32x32xf32, #tpu.memory_space<vmem>>, vector<1x16xf32>,
    %get3A_600 = arith.constant 17 : i32
    %get3A_601 = arith.index_cast %get3A_600 : i32 to index
    %get3A_602 = arith.constant 16 : index
    %get3A_603 = tpu.vector_load %arg7[%get3A_601, %get3A_602] {strides = array<i32>} : memref<32x32xf32, #tpu.memory_space<vmem>>, vector<1x16xf32>,
    %get3A_604 = vector.shape_cast %get3A_603 : vector<1x16xf32> to vector<16xf32>
    %get3A_605 = arith.constant 1 : i32
    %get3A_606 = arith.index_cast %get3A_605 : i32 to index
    %get3A_607 = arith.constant 16 : index
    %get3A_608 = tpu.vector_load %arg8[%get3A_606, %get3A_607] {strides = array<i32>} : memref<8x32xf32, #tpu.memory_space<vmem>>, vector<1x16xf32>,
    %get3A_609 = vector.shape_cast %get3A_608 : vector<1x16xf32> to vector<16xf32>
    %add3A_610 = arith.addf %get3A_604, %get3A_609 : vector<16xf32>
    %swap3A_611 = arith.constant 17 : i32
    %swap3A_612 = arith.index_cast %swap3A_611 : i32 to index
    %swap3A_613 = arith.constant 16 : index
    %swap3A_614 = tpu.vector_load %arg7[%swap3A_612, %swap3A_613] {strides = array<i32>} : memref<32x32xf32, #tpu.memory_space<vmem>>, vector<1x16xf32>,
    %swap3A_615 = vector.shape_cast %swap3A_614 : vector<1x16xf32> to vector<16xf32>
    %swap3A_616 = vector.shape_cast %add3A_610 : vector<16xf32> to vector<1x16xf32>
    tpu.vector_store %arg7[%swap3A_612, %swap3A_613], %swap3A_616 {strides = array<i32>} : memref<32x32xf32, #tpu.memory_space<vmem>>, vector<1x16xf32>,
    %get3A_617 = arith.constant 18 : i32
    %get3A_618 = arith.index_cast %get3A_617 : i32 to index
    %get3A_619 = arith.constant 0 : index
    %get3A_620 = tpu.vector_load %arg7[%get3A_618, %get3A_619] {strides = array<i32>} : memref<32x32xf32, #tpu.memory_space<vmem>>, vector<1x16xf32>,
    %get3A_621 = vector.shape_cast %get3A_620 : vector<1x16xf32> to vector<16xf32>
    %get3A_622 = arith.constant 2 : i32
    %get3A_623 = arith.index_cast %get3A_622 : i32 to index
    %get3A_624 = arith.constant 0 : index
    %get3A_625 = tpu.vector_load %arg8[%get3A_623, %get3A_624] {strides = array<i32>} : memref<8x32xf32, #tpu.memory_space<vmem>>, vector<1x16xf32>,
    %get3A_626 = vector.shape_cast %get3A_625 : vector<1x16xf32> to vector<16xf32>
    %add3A_627 = arith.addf %get3A_621, %get3A_626 : vector<16xf32>
    %swap3A_628 = arith.constant 18 : i32
    %swap3A_629 = arith.index_cast %swap3A_628 : i32 to index
    %swap3A_630 = arith.constant 0 : index
    %swap3A_631 = tpu.vector_load %arg7[%swap3A_629, %swap3A_630] {strides = array<i32>} : memref<32x32xf32, #tpu.memory_space<vmem>>, vector<1x16xf32>,
    %swap3A_632 = vector.shape_cast %swap3A_631 : vector<1x16xf32> to vector<16xf32>
    %swap3A_633 = vector.shape_cast %add3A_627 : vector<16xf32> to vector<1x16xf32>
    tpu.vector_store %arg7[%swap3A_629, %swap3A_630], %swap3A_633 {strides = array<i32>} : memref<32x32xf32, #tpu.memory_space<vmem>>, vector<1x16xf32>,
    %get3A_634 = arith.constant 18 : i32
    %get3A_635 = arith.index_cast %get3A_634 : i32 to index
    %get3A_636 = arith.constant 16 : index
    %get3A_637 = tpu.vector_load %arg7[%get3A_635, %get3A_636] {strides = array<i32>} : memref<32x32xf32, #tpu.memory_space<vmem>>, vector<1x16xf32>,
    %get3A_638 = vector.shape_cast %get3A_637 : vector<1x16xf32> to vector<16xf32>
    %get3A_639 = arith.constant 2 : i32
    %get3A_640 = arith.index_cast %get3A_639 : i32 to index
    %get3A_641 = arith.constant 16 : index
    %get3A_642 = tpu.vector_load %arg8[%get3A_640, %get3A_641] {strides = array<i32>} : memref<8x32xf32, #tpu.memory_space<vmem>>, vector<1x16xf32>,
    %get3A_643 = vector.shape_cast %get3A_642 : vector<1x16xf32> to vector<16xf32>
    %add3A_644 = arith.addf %get3A_638, %get3A_643 : vector<16xf32>
    %swap3A_645 = arith.constant 18 : i32
    %swap3A_646 = arith.index_cast %swap3A_645 : i32 to index
    %swap3A_647 = arith.constant 16 : index
    %swap3A_648 = tpu.vector_load %arg7[%swap3A_646, %swap3A_647] {strides = array<i32>} : memref<32x32xf32, #tpu.memory_space<vmem>>, vector<1x16xf32>,
    %swap3A_649 = vector.shape_cast %swap3A_648 : vector<1x16xf32> to vector<16xf32>
    %swap3A_650 = vector.shape_cast %add3A_644 : vector<16xf32> to vector<1x16xf32>
    tpu.vector_store %arg7[%swap3A_646, %swap3A_647], %swap3A_650 {strides = array<i32>} : memref<32x32xf32, #tpu.memory_space<vmem>>, vector<1x16xf32>,
    %get3A_651 = arith.constant 19 : i32
    %get3A_652 = arith.index_cast %get3A_651 : i32 to index
    %get3A_653 = arith.constant 0 : index
    %get3A_654 = tpu.vector_load %arg7[%get3A_652, %get3A_653] {strides = array<i32>} : memref<32x32xf32, #tpu.memory_space<vmem>>, vector<1x16xf32>,
    %get3A_655 = vector.shape_cast %get3A_654 : vector<1x16xf32> to vector<16xf32>
    %get3A_656 = arith.constant 3 : i32
    %get3A_657 = arith.index_cast %get3A_656 : i32 to index
    %get3A_658 = arith.constant 0 : index
    %get3A_659 = tpu.vector_load %arg8[%get3A_657, %get3A_658] {strides = array<i32>} : memref<8x32xf32, #tpu.memory_space<vmem>>, vector<1x16xf32>,
    %get3A_660 = vector.shape_cast %get3A_659 : vector<1x16xf32> to vector<16xf32>
    %add3A_661 = arith.addf %get3A_655, %get3A_660 : vector<16xf32>
    %swap3A_662 = arith.constant 19 : i32
    %swap3A_663 = arith.index_cast %swap3A_662 : i32 to index
    %swap3A_664 = arith.constant 0 : index
    %swap3A_665 = tpu.vector_load %arg7[%swap3A_663, %swap3A_664] {strides = array<i32>} : memref<32x32xf32, #tpu.memory_space<vmem>>, vector<1x16xf32>,
    %swap3A_666 = vector.shape_cast %swap3A_665 : vector<1x16xf32> to vector<16xf32>
    %swap3A_667 = vector.shape_cast %add3A_661 : vector<16xf32> to vector<1x16xf32>
    tpu.vector_store %arg7[%swap3A_663, %swap3A_664], %swap3A_667 {strides = array<i32>} : memref<32x32xf32, #tpu.memory_space<vmem>>, vector<1x16xf32>,
    %get3A_668 = arith.constant 19 : i32
    %get3A_669 = arith.index_cast %get3A_668 : i32 to index
    %get3A_670 = arith.constant 16 : index
    %get3A_671 = tpu.vector_load %arg7[%get3A_669, %get3A_670] {strides = array<i32>} : memref<32x32xf32, #tpu.memory_space<vmem>>, vector<1x16xf32>,
    %get3A_672 = vector.shape_cast %get3A_671 : vector<1x16xf32> to vector<16xf32>
    %get3A_673 = arith.constant 3 : i32
    %get3A_674 = arith.index_cast %get3A_673 : i32 to index
    %get3A_675 = arith.constant 16 : index
    %get3A_676 = tpu.vector_load %arg8[%get3A_674, %get3A_675] {strides = array<i32>} : memref<8x32xf32, #tpu.memory_space<vmem>>, vector<1x16xf32>,
    %get3A_677 = vector.shape_cast %get3A_676 : vector<1x16xf32> to vector<16xf32>
    %add3A_678 = arith.addf %get3A_672, %get3A_677 : vector<16xf32>
    %swap3A_679 = arith.constant 19 : i32
    %swap3A_680 = arith.index_cast %swap3A_679 : i32 to index
    %swap3A_681 = arith.constant 16 : index
    %swap3A_682 = tpu.vector_load %arg7[%swap3A_680, %swap3A_681] {strides = array<i32>} : memref<32x32xf32, #tpu.memory_space<vmem>>, vector<1x16xf32>,
    %swap3A_683 = vector.shape_cast %swap3A_682 : vector<1x16xf32> to vector<16xf32>
    %swap3A_684 = vector.shape_cast %add3A_678 : vector<16xf32> to vector<1x16xf32>
    tpu.vector_store %arg7[%swap3A_680, %swap3A_681], %swap3A_684 {strides = array<i32>} : memref<32x32xf32, #tpu.memory_space<vmem>>, vector<1x16xf32>,
    %get3A_685 = arith.constant 20 : i32
    %get3A_686 = arith.index_cast %get3A_685 : i32 to index
    %get3A_687 = arith.constant 0 : index
    %get3A_688 = tpu.vector_load %arg7[%get3A_686, %get3A_687] {strides = array<i32>} : memref<32x32xf32, #tpu.memory_space<vmem>>, vector<1x16xf32>,
    %get3A_689 = vector.shape_cast %get3A_688 : vector<1x16xf32> to vector<16xf32>
    %get3A_690 = arith.constant 4 : i32
    %get3A_691 = arith.index_cast %get3A_690 : i32 to index
    %get3A_692 = arith.constant 0 : index
    %get3A_693 = tpu.vector_load %arg8[%get3A_691, %get3A_692] {strides = array<i32>} : memref<8x32xf32, #tpu.memory_space<vmem>>, vector<1x16xf32>,
    %get3A_694 = vector.shape_cast %get3A_693 : vector<1x16xf32> to vector<16xf32>
    %add3A_695 = arith.addf %get3A_689, %get3A_694 : vector<16xf32>
    %swap3A_696 = arith.constant 20 : i32
    %swap3A_697 = arith.index_cast %swap3A_696 : i32 to index
    %swap3A_698 = arith.constant 0 : index
    %swap3A_699 = tpu.vector_load %arg7[%swap3A_697, %swap3A_698] {strides = array<i32>} : memref<32x32xf32, #tpu.memory_space<vmem>>, vector<1x16xf32>,
    %swap3A_700 = vector.shape_cast %swap3A_699 : vector<1x16xf32> to vector<16xf32>
    %swap3A_701 = vector.shape_cast %add3A_695 : vector<16xf32> to vector<1x16xf32>
    tpu.vector_store %arg7[%swap3A_697, %swap3A_698], %swap3A_701 {strides = array<i32>} : memref<32x32xf32, #tpu.memory_space<vmem>>, vector<1x16xf32>,
    %get3A_702 = arith.constant 20 : i32
    %get3A_703 = arith.index_cast %get3A_702 : i32 to index
    %get3A_704 = arith.constant 16 : index
    %get3A_705 = tpu.vector_load %arg7[%get3A_703, %get3A_704] {strides = array<i32>} : memref<32x32xf32, #tpu.memory_space<vmem>>, vector<1x16xf32>,
    %get3A_706 = vector.shape_cast %get3A_705 : vector<1x16xf32> to vector<16xf32>
    %get3A_707 = arith.constant 4 : i32
    %get3A_708 = arith.index_cast %get3A_707 : i32 to index
    %get3A_709 = arith.constant 16 : index
    %get3A_710 = tpu.vector_load %arg8[%get3A_708, %get3A_709] {strides = array<i32>} : memref<8x32xf32, #tpu.memory_space<vmem>>, vector<1x16xf32>,
    %get3A_711 = vector.shape_cast %get3A_710 : vector<1x16xf32> to vector<16xf32>
    %add3A_712 = arith.addf %get3A_706, %get3A_711 : vector<16xf32>
    %swap3A_713 = arith.constant 20 : i32
    %swap3A_714 = arith.index_cast %swap3A_713 : i32 to index
    %swap3A_715 = arith.constant 16 : index
    %swap3A_716 = tpu.vector_load %arg7[%swap3A_714, %swap3A_715] {strides = array<i32>} : memref<32x32xf32, #tpu.memory_space<vmem>>, vector<1x16xf32>,
    %swap3A_717 = vector.shape_cast %swap3A_716 : vector<1x16xf32> to vector<16xf32>
    %swap3A_718 = vector.shape_cast %add3A_712 : vector<16xf32> to vector<1x16xf32>
    tpu.vector_store %arg7[%swap3A_714, %swap3A_715], %swap3A_718 {strides = array<i32>} : memref<32x32xf32, #tpu.memory_space<vmem>>, vector<1x16xf32>,
    %get3A_719 = arith.constant 21 : i32
    %get3A_720 = arith.index_cast %get3A_719 : i32 to index
    %get3A_721 = arith.constant 0 : index
    %get3A_722 = tpu.vector_load %arg7[%get3A_720, %get3A_721] {strides = array<i32>} : memref<32x32xf32, #tpu.memory_space<vmem>>, vector<1x16xf32>,
    %get3A_723 = vector.shape_cast %get3A_722 : vector<1x16xf32> to vector<16xf32>
    %get3A_724 = arith.constant 5 : i32
    %get3A_725 = arith.index_cast %get3A_724 : i32 to index
    %get3A_726 = arith.constant 0 : index
    %get3A_727 = tpu.vector_load %arg8[%get3A_725, %get3A_726] {strides = array<i32>} : memref<8x32xf32, #tpu.memory_space<vmem>>, vector<1x16xf32>,
    %get3A_728 = vector.shape_cast %get3A_727 : vector<1x16xf32> to vector<16xf32>
    %add3A_729 = arith.addf %get3A_723, %get3A_728 : vector<16xf32>
    %swap3A_730 = arith.constant 21 : i32
    %swap3A_731 = arith.index_cast %swap3A_730 : i32 to index
    %swap3A_732 = arith.constant 0 : index
    %swap3A_733 = tpu.vector_load %arg7[%swap3A_731, %swap3A_732] {strides = array<i32>} : memref<32x32xf32, #tpu.memory_space<vmem>>, vector<1x16xf32>,
    %swap3A_734 = vector.shape_cast %swap3A_733 : vector<1x16xf32> to vector<16xf32>
    %swap3A_735 = vector.shape_cast %add3A_729 : vector<16xf32> to vector<1x16xf32>
    tpu.vector_store %arg7[%swap3A_731, %swap3A_732], %swap3A_735 {strides = array<i32>} : memref<32x32xf32, #tpu.memory_space<vmem>>, vector<1x16xf32>,
    %get3A_736 = arith.constant 21 : i32
    %get3A_737 = arith.index_cast %get3A_736 : i32 to index
    %get3A_738 = arith.constant 16 : index
    %get3A_739 = tpu.vector_load %arg7[%get3A_737, %get3A_738] {strides = array<i32>} : memref<32x32xf32, #tpu.memory_space<vmem>>, vector<1x16xf32>,
    %get3A_740 = vector.shape_cast %get3A_739 : vector<1x16xf32> to vector<16xf32>
    %get3A_741 = arith.constant 5 : i32
    %get3A_742 = arith.index_cast %get3A_741 : i32 to index
    %get3A_743 = arith.constant 16 : index
    %get3A_744 = tpu.vector_load %arg8[%get3A_742, %get3A_743] {strides = array<i32>} : memref<8x32xf32, #tpu.memory_space<vmem>>, vector<1x16xf32>,
    %get3A_745 = vector.shape_cast %get3A_744 : vector<1x16xf32> to vector<16xf32>
    %add3A_746 = arith.addf %get3A_740, %get3A_745 : vector<16xf32>
    %swap3A_747 = arith.constant 21 : i32
    %swap3A_748 = arith.index_cast %swap3A_747 : i32 to index
    %swap3A_749 = arith.constant 16 : index
    %swap3A_750 = tpu.vector_load %arg7[%swap3A_748, %swap3A_749] {strides = array<i32>} : memref<32x32xf32, #tpu.memory_space<vmem>>, vector<1x16xf32>,
    %swap3A_751 = vector.shape_cast %swap3A_750 : vector<1x16xf32> to vector<16xf32>
    %swap3A_752 = vector.shape_cast %add3A_746 : vector<16xf32> to vector<1x16xf32>
    tpu.vector_store %arg7[%swap3A_748, %swap3A_749], %swap3A_752 {strides = array<i32>} : memref<32x32xf32, #tpu.memory_space<vmem>>, vector<1x16xf32>,
    %get3A_753 = arith.constant 22 : i32
    %get3A_754 = arith.index_cast %get3A_753 : i32 to index
    %get3A_755 = arith.constant 0 : index
    %get3A_756 = tpu.vector_load %arg7[%get3A_754, %get3A_755] {strides = array<i32>} : memref<32x32xf32, #tpu.memory_space<vmem>>, vector<1x16xf32>,
    %get3A_757 = vector.shape_cast %get3A_756 : vector<1x16xf32> to vector<16xf32>
    %get3A_758 = arith.constant 6 : i32
    %get3A_759 = arith.index_cast %get3A_758 : i32 to index
    %get3A_760 = arith.constant 0 : index
    %get3A_761 = tpu.vector_load %arg8[%get3A_759, %get3A_760] {strides = array<i32>} : memref<8x32xf32, #tpu.memory_space<vmem>>, vector<1x16xf32>,
    %get3A_762 = vector.shape_cast %get3A_761 : vector<1x16xf32> to vector<16xf32>
    %add3A_763 = arith.addf %get3A_757, %get3A_762 : vector<16xf32>
    %swap3A_764 = arith.constant 22 : i32
    %swap3A_765 = arith.index_cast %swap3A_764 : i32 to index
    %swap3A_766 = arith.constant 0 : index
    %swap3A_767 = tpu.vector_load %arg7[%swap3A_765, %swap3A_766] {strides = array<i32>} : memref<32x32xf32, #tpu.memory_space<vmem>>, vector<1x16xf32>,
    %swap3A_768 = vector.shape_cast %swap3A_767 : vector<1x16xf32> to vector<16xf32>
    %swap3A_769 = vector.shape_cast %add3A_763 : vector<16xf32> to vector<1x16xf32>
    tpu.vector_store %arg7[%swap3A_765, %swap3A_766], %swap3A_769 {strides = array<i32>} : memref<32x32xf32, #tpu.memory_space<vmem>>, vector<1x16xf32>,
    %get3A_770 = arith.constant 22 : i32
    %get3A_771 = arith.index_cast %get3A_770 : i32 to index
    %get3A_772 = arith.constant 16 : index
    %get3A_773 = tpu.vector_load %arg7[%get3A_771, %get3A_772] {strides = array<i32>} : memref<32x32xf32, #tpu.memory_space<vmem>>, vector<1x16xf32>,
    %get3A_774 = vector.shape_cast %get3A_773 : vector<1x16xf32> to vector<16xf32>
    %get3A_775 = arith.constant 6 : i32
    %get3A_776 = arith.index_cast %get3A_775 : i32 to index
    %get3A_777 = arith.constant 16 : index
    %get3A_778 = tpu.vector_load %arg8[%get3A_776, %get3A_777] {strides = array<i32>} : memref<8x32xf32, #tpu.memory_space<vmem>>, vector<1x16xf32>,
    %get3A_779 = vector.shape_cast %get3A_778 : vector<1x16xf32> to vector<16xf32>
    %add3A_780 = arith.addf %get3A_774, %get3A_779 : vector<16xf32>
    %swap3A_781 = arith.constant 22 : i32
    %swap3A_782 = arith.index_cast %swap3A_781 : i32 to index
    %swap3A_783 = arith.constant 16 : index
    %swap3A_784 = tpu.vector_load %arg7[%swap3A_782, %swap3A_783] {strides = array<i32>} : memref<32x32xf32, #tpu.memory_space<vmem>>, vector<1x16xf32>,
    %swap3A_785 = vector.shape_cast %swap3A_784 : vector<1x16xf32> to vector<16xf32>
    %swap3A_786 = vector.shape_cast %add3A_780 : vector<16xf32> to vector<1x16xf32>
    tpu.vector_store %arg7[%swap3A_782, %swap3A_783], %swap3A_786 {strides = array<i32>} : memref<32x32xf32, #tpu.memory_space<vmem>>, vector<1x16xf32>,
    %get3A_787 = arith.constant 23 : i32
    %get3A_788 = arith.index_cast %get3A_787 : i32 to index
    %get3A_789 = arith.constant 0 : index
    %get3A_790 = tpu.vector_load %arg7[%get3A_788, %get3A_789] {strides = array<i32>} : memref<32x32xf32, #tpu.memory_space<vmem>>, vector<1x16xf32>,
    %get3A_791 = vector.shape_cast %get3A_790 : vector<1x16xf32> to vector<16xf32>
    %get3A_792 = arith.constant 7 : i32
    %get3A_793 = arith.index_cast %get3A_792 : i32 to index
    %get3A_794 = arith.constant 0 : index
    %get3A_795 = tpu.vector_load %arg8[%get3A_793, %get3A_794] {strides = array<i32>} : memref<8x32xf32, #tpu.memory_space<vmem>>, vector<1x16xf32>,
    %get3A_796 = vector.shape_cast %get3A_795 : vector<1x16xf32> to vector<16xf32>
    %add3A_797 = arith.addf %get3A_791, %get3A_796 : vector<16xf32>
    %swap3A_798 = arith.constant 23 : i32
    %swap3A_799 = arith.index_cast %swap3A_798 : i32 to index
    %swap3A_800 = arith.constant 0 : index
    %swap3A_801 = tpu.vector_load %arg7[%swap3A_799, %swap3A_800] {strides = array<i32>} : memref<32x32xf32, #tpu.memory_space<vmem>>, vector<1x16xf32>,
    %swap3A_802 = vector.shape_cast %swap3A_801 : vector<1x16xf32> to vector<16xf32>
    %swap3A_803 = vector.shape_cast %add3A_797 : vector<16xf32> to vector<1x16xf32>
    tpu.vector_store %arg7[%swap3A_799, %swap3A_800], %swap3A_803 {strides = array<i32>} : memref<32x32xf32, #tpu.memory_space<vmem>>, vector<1x16xf32>,
    %get3A_804 = arith.constant 23 : i32
    %get3A_805 = arith.index_cast %get3A_804 : i32 to index
    %get3A_806 = arith.constant 16 : index
    %get3A_807 = tpu.vector_load %arg7[%get3A_805, %get3A_806] {strides = array<i32>} : memref<32x32xf32, #tpu.memory_space<vmem>>, vector<1x16xf32>,
    %get3A_808 = vector.shape_cast %get3A_807 : vector<1x16xf32> to vector<16xf32>
    %get3A_809 = arith.constant 7 : i32
    %get3A_810 = arith.index_cast %get3A_809 : i32 to index
    %get3A_811 = arith.constant 16 : index
    %get3A_812 = tpu.vector_load %arg8[%get3A_810, %get3A_811] {strides = array<i32>} : memref<8x32xf32, #tpu.memory_space<vmem>>, vector<1x16xf32>,
    %get3A_813 = vector.shape_cast %get3A_812 : vector<1x16xf32> to vector<16xf32>
    %add3A_814 = arith.addf %get3A_808, %get3A_813 : vector<16xf32>
    %swap3A_815 = arith.constant 23 : i32
    %swap3A_816 = arith.index_cast %swap3A_815 : i32 to index
    %swap3A_817 = arith.constant 16 : index
    %swap3A_818 = tpu.vector_load %arg7[%swap3A_816, %swap3A_817] {strides = array<i32>} : memref<32x32xf32, #tpu.memory_space<vmem>>, vector<1x16xf32>,
    %swap3A_819 = vector.shape_cast %swap3A_818 : vector<1x16xf32> to vector<16xf32>
    %swap3A_820 = vector.shape_cast %add3A_814 : vector<16xf32> to vector<1x16xf32>
    tpu.vector_store %arg7[%swap3A_816, %swap3A_817], %swap3A_820 {strides = array<i32>} : memref<32x32xf32, #tpu.memory_space<vmem>>, vector<1x16xf32>,
    %get3A_821 = arith.constant 24 : i32
    %get3A_822 = arith.index_cast %get3A_821 : i32 to index
    %get3A_823 = arith.constant 0 : index
    %get3A_824 = tpu.vector_load %arg7[%get3A_822, %get3A_823] {strides = array<i32>} : memref<32x32xf32, #tpu.memory_space<vmem>>, vector<1x16xf32>,
    %get3A_825 = vector.shape_cast %get3A_824 : vector<1x16xf32> to vector<16xf32>
    %get3A_826 = arith.constant 0 : i32
    %get3A_827 = arith.index_cast %get3A_826 : i32 to index
    %get3A_828 = arith.constant 0 : index
    %get3A_829 = tpu.vector_load %arg8[%get3A_827, %get3A_828] {strides = array<i32>} : memref<8x32xf32, #tpu.memory_space<vmem>>, vector<1x16xf32>,
    %get3A_830 = vector.shape_cast %get3A_829 : vector<1x16xf32> to vector<16xf32>
    %add3A_831 = arith.addf %get3A_825, %get3A_830 : vector<16xf32>
    %swap3A_832 = arith.constant 24 : i32
    %swap3A_833 = arith.index_cast %swap3A_832 : i32 to index
    %swap3A_834 = arith.constant 0 : index
    %swap3A_835 = tpu.vector_load %arg7[%swap3A_833, %swap3A_834] {strides = array<i32>} : memref<32x32xf32, #tpu.memory_space<vmem>>, vector<1x16xf32>,
    %swap3A_836 = vector.shape_cast %swap3A_835 : vector<1x16xf32> to vector<16xf32>
    %swap3A_837 = vector.shape_cast %add3A_831 : vector<16xf32> to vector<1x16xf32>
    tpu.vector_store %arg7[%swap3A_833, %swap3A_834], %swap3A_837 {strides = array<i32>} : memref<32x32xf32, #tpu.memory_space<vmem>>, vector<1x16xf32>,
    %get3A_838 = arith.constant 24 : i32
    %get3A_839 = arith.index_cast %get3A_838 : i32 to index
    %get3A_840 = arith.constant 16 : index
    %get3A_841 = tpu.vector_load %arg7[%get3A_839, %get3A_840] {strides = array<i32>} : memref<32x32xf32, #tpu.memory_space<vmem>>, vector<1x16xf32>,
    %get3A_842 = vector.shape_cast %get3A_841 : vector<1x16xf32> to vector<16xf32>
    %get3A_843 = arith.constant 0 : i32
    %get3A_844 = arith.index_cast %get3A_843 : i32 to index
    %get3A_845 = arith.constant 16 : index
    %get3A_846 = tpu.vector_load %arg8[%get3A_844, %get3A_845] {strides = array<i32>} : memref<8x32xf32, #tpu.memory_space<vmem>>, vector<1x16xf32>,
    %get3A_847 = vector.shape_cast %get3A_846 : vector<1x16xf32> to vector<16xf32>
    %add3A_848 = arith.addf %get3A_842, %get3A_847 : vector<16xf32>
    %swap3A_849 = arith.constant 24 : i32
    %swap3A_850 = arith.index_cast %swap3A_849 : i32 to index
    %swap3A_851 = arith.constant 16 : index
    %swap3A_852 = tpu.vector_load %arg7[%swap3A_850, %swap3A_851] {strides = array<i32>} : memref<32x32xf32, #tpu.memory_space<vmem>>, vector<1x16xf32>,
    %swap3A_853 = vector.shape_cast %swap3A_852 : vector<1x16xf32> to vector<16xf32>
    %swap3A_854 = vector.shape_cast %add3A_848 : vector<16xf32> to vector<1x16xf32>
    tpu.vector_store %arg7[%swap3A_850, %swap3A_851], %swap3A_854 {strides = array<i32>} : memref<32x32xf32, #tpu.memory_space<vmem>>, vector<1x16xf32>,
    %get3A_855 = arith.constant 25 : i32
    %get3A_856 = arith.index_cast %get3A_855 : i32 to index
    %get3A_857 = arith.constant 0 : index
    %get3A_858 = tpu.vector_load %arg7[%get3A_856, %get3A_857] {strides = array<i32>} : memref<32x32xf32, #tpu.memory_space<vmem>>, vector<1x16xf32>,
    %get3A_859 = vector.shape_cast %get3A_858 : vector<1x16xf32> to vector<16xf32>
    %get3A_860 = arith.constant 1 : i32
    %get3A_861 = arith.index_cast %get3A_860 : i32 to index
    %get3A_862 = arith.constant 0 : index
    %get3A_863 = tpu.vector_load %arg8[%get3A_861, %get3A_862] {strides = array<i32>} : memref<8x32xf32, #tpu.memory_space<vmem>>, vector<1x16xf32>,
    %get3A_864 = vector.shape_cast %get3A_863 : vector<1x16xf32> to vector<16xf32>
    %add3A_865 = arith.addf %get3A_859, %get3A_864 : vector<16xf32>
    %swap3A_866 = arith.constant 25 : i32
    %swap3A_867 = arith.index_cast %swap3A_866 : i32 to index
    %swap3A_868 = arith.constant 0 : index
    %swap3A_869 = tpu.vector_load %arg7[%swap3A_867, %swap3A_868] {strides = array<i32>} : memref<32x32xf32, #tpu.memory_space<vmem>>, vector<1x16xf32>,
    %swap3A_870 = vector.shape_cast %swap3A_869 : vector<1x16xf32> to vector<16xf32>
    %swap3A_871 = vector.shape_cast %add3A_865 : vector<16xf32> to vector<1x16xf32>
    tpu.vector_store %arg7[%swap3A_867, %swap3A_868], %swap3A_871 {strides = array<i32>} : memref<32x32xf32, #tpu.memory_space<vmem>>, vector<1x16xf32>,
    %get3A_872 = arith.constant 25 : i32
    %get3A_873 = arith.index_cast %get3A_872 : i32 to index
    %get3A_874 = arith.constant 16 : index
    %get3A_875 = tpu.vector_load %arg7[%get3A_873, %get3A_874] {strides = array<i32>} : memref<32x32xf32, #tpu.memory_space<vmem>>, vector<1x16xf32>,
    %get3A_876 = vector.shape_cast %get3A_875 : vector<1x16xf32> to vector<16xf32>
    %get3A_877 = arith.constant 1 : i32
    %get3A_878 = arith.index_cast %get3A_877 : i32 to index
    %get3A_879 = arith.constant 16 : index
    %get3A_880 = tpu.vector_load %arg8[%get3A_878, %get3A_879] {strides = array<i32>} : memref<8x32xf32, #tpu.memory_space<vmem>>, vector<1x16xf32>,
    %get3A_881 = vector.shape_cast %get3A_880 : vector<1x16xf32> to vector<16xf32>
    %add3A_882 = arith.addf %get3A_876, %get3A_881 : vector<16xf32>
    %swap3A_883 = arith.constant 25 : i32
    %swap3A_884 = arith.index_cast %swap3A_883 : i32 to index
    %swap3A_885 = arith.constant 16 : index
    %swap3A_886 = tpu.vector_load %arg7[%swap3A_884, %swap3A_885] {strides = array<i32>} : memref<32x32xf32, #tpu.memory_space<vmem>>, vector<1x16xf32>,
    %swap3A_887 = vector.shape_cast %swap3A_886 : vector<1x16xf32> to vector<16xf32>
    %swap3A_888 = vector.shape_cast %add3A_882 : vector<16xf32> to vector<1x16xf32>
    tpu.vector_store %arg7[%swap3A_884, %swap3A_885], %swap3A_888 {strides = array<i32>} : memref<32x32xf32, #tpu.memory_space<vmem>>, vector<1x16xf32>,
    %get3A_889 = arith.constant 26 : i32
    %get3A_890 = arith.index_cast %get3A_889 : i32 to index
    %get3A_891 = arith.constant 0 : index
    %get3A_892 = tpu.vector_load %arg7[%get3A_890, %get3A_891] {strides = array<i32>} : memref<32x32xf32, #tpu.memory_space<vmem>>, vector<1x16xf32>,
    %get3A_893 = vector.shape_cast %get3A_892 : vector<1x16xf32> to vector<16xf32>
    %get3A_894 = arith.constant 2 : i32
    %get3A_895 = arith.index_cast %get3A_894 : i32 to index
    %get3A_896 = arith.constant 0 : index
    %get3A_897 = tpu.vector_load %arg8[%get3A_895, %get3A_896] {strides = array<i32>} : memref<8x32xf32, #tpu.memory_space<vmem>>, vector<1x16xf32>,
    %get3A_898 = vector.shape_cast %get3A_897 : vector<1x16xf32> to vector<16xf32>
    %add3A_899 = arith.addf %get3A_893, %get3A_898 : vector<16xf32>
    %swap3A_900 = arith.constant 26 : i32
    %swap3A_901 = arith.index_cast %swap3A_900 : i32 to index
    %swap3A_902 = arith.constant 0 : index
    %swap3A_903 = tpu.vector_load %arg7[%swap3A_901, %swap3A_902] {strides = array<i32>} : memref<32x32xf32, #tpu.memory_space<vmem>>, vector<1x16xf32>,
    %swap3A_904 = vector.shape_cast %swap3A_903 : vector<1x16xf32> to vector<16xf32>
    %swap3A_905 = vector.shape_cast %add3A_899 : vector<16xf32> to vector<1x16xf32>
    tpu.vector_store %arg7[%swap3A_901, %swap3A_902], %swap3A_905 {strides = array<i32>} : memref<32x32xf32, #tpu.memory_space<vmem>>, vector<1x16xf32>,
    %get3A_906 = arith.constant 26 : i32
    %get3A_907 = arith.index_cast %get3A_906 : i32 to index
    %get3A_908 = arith.constant 16 : index
    %get3A_909 = tpu.vector_load %arg7[%get3A_907, %get3A_908] {strides = array<i32>} : memref<32x32xf32, #tpu.memory_space<vmem>>, vector<1x16xf32>,
    %get3A_910 = vector.shape_cast %get3A_909 : vector<1x16xf32> to vector<16xf32>
    %get3A_911 = arith.constant 2 : i32
    %get3A_912 = arith.index_cast %get3A_911 : i32 to index
    %get3A_913 = arith.constant 16 : index
    %get3A_914 = tpu.vector_load %arg8[%get3A_912, %get3A_913] {strides = array<i32>} : memref<8x32xf32, #tpu.memory_space<vmem>>, vector<1x16xf32>,
    %get3A_915 = vector.shape_cast %get3A_914 : vector<1x16xf32> to vector<16xf32>
    %add3A_916 = arith.addf %get3A_910, %get3A_915 : vector<16xf32>
    %swap3A_917 = arith.constant 26 : i32
    %swap3A_918 = arith.index_cast %swap3A_917 : i32 to index
    %swap3A_919 = arith.constant 16 : index
    %swap3A_920 = tpu.vector_load %arg7[%swap3A_918, %swap3A_919] {strides = array<i32>} : memref<32x32xf32, #tpu.memory_space<vmem>>, vector<1x16xf32>,
    %swap3A_921 = vector.shape_cast %swap3A_920 : vector<1x16xf32> to vector<16xf32>
    %swap3A_922 = vector.shape_cast %add3A_916 : vector<16xf32> to vector<1x16xf32>
    tpu.vector_store %arg7[%swap3A_918, %swap3A_919], %swap3A_922 {strides = array<i32>} : memref<32x32xf32, #tpu.memory_space<vmem>>, vector<1x16xf32>,
    %get3A_923 = arith.constant 27 : i32
    %get3A_924 = arith.index_cast %get3A_923 : i32 to index
    %get3A_925 = arith.constant 0 : index
    %get3A_926 = tpu.vector_load %arg7[%get3A_924, %get3A_925] {strides = array<i32>} : memref<32x32xf32, #tpu.memory_space<vmem>>, vector<1x16xf32>,
    %get3A_927 = vector.shape_cast %get3A_926 : vector<1x16xf32> to vector<16xf32>
    %get3A_928 = arith.constant 3 : i32
    %get3A_929 = arith.index_cast %get3A_928 : i32 to index
    %get3A_930 = arith.constant 0 : index
    %get3A_931 = tpu.vector_load %arg8[%get3A_929, %get3A_930] {strides = array<i32>} : memref<8x32xf32, #tpu.memory_space<vmem>>, vector<1x16xf32>,
    %get3A_932 = vector.shape_cast %get3A_931 : vector<1x16xf32> to vector<16xf32>
    %add3A_933 = arith.addf %get3A_927, %get3A_932 : vector<16xf32>
    %swap3A_934 = arith.constant 27 : i32
    %swap3A_935 = arith.index_cast %swap3A_934 : i32 to index
    %swap3A_936 = arith.constant 0 : index
    %swap3A_937 = tpu.vector_load %arg7[%swap3A_935, %swap3A_936] {strides = array<i32>} : memref<32x32xf32, #tpu.memory_space<vmem>>, vector<1x16xf32>,
    %swap3A_938 = vector.shape_cast %swap3A_937 : vector<1x16xf32> to vector<16xf32>
    %swap3A_939 = vector.shape_cast %add3A_933 : vector<16xf32> to vector<1x16xf32>
    tpu.vector_store %arg7[%swap3A_935, %swap3A_936], %swap3A_939 {strides = array<i32>} : memref<32x32xf32, #tpu.memory_space<vmem>>, vector<1x16xf32>,
    %get3A_940 = arith.constant 27 : i32
    %get3A_941 = arith.index_cast %get3A_940 : i32 to index
    %get3A_942 = arith.constant 16 : index
    %get3A_943 = tpu.vector_load %arg7[%get3A_941, %get3A_942] {strides = array<i32>} : memref<32x32xf32, #tpu.memory_space<vmem>>, vector<1x16xf32>,
    %get3A_944 = vector.shape_cast %get3A_943 : vector<1x16xf32> to vector<16xf32>
    %get3A_945 = arith.constant 3 : i32
    %get3A_946 = arith.index_cast %get3A_945 : i32 to index
    %get3A_947 = arith.constant 16 : index
    %get3A_948 = tpu.vector_load %arg8[%get3A_946, %get3A_947] {strides = array<i32>} : memref<8x32xf32, #tpu.memory_space<vmem>>, vector<1x16xf32>,
    %get3A_949 = vector.shape_cast %get3A_948 : vector<1x16xf32> to vector<16xf32>
    %add3A_950 = arith.addf %get3A_944, %get3A_949 : vector<16xf32>
    %swap3A_951 = arith.constant 27 : i32
    %swap3A_952 = arith.index_cast %swap3A_951 : i32 to index
    %swap3A_953 = arith.constant 16 : index
    %swap3A_954 = tpu.vector_load %arg7[%swap3A_952, %swap3A_953] {strides = array<i32>} : memref<32x32xf32, #tpu.memory_space<vmem>>, vector<1x16xf32>,
    %swap3A_955 = vector.shape_cast %swap3A_954 : vector<1x16xf32> to vector<16xf32>
    %swap3A_956 = vector.shape_cast %add3A_950 : vector<16xf32> to vector<1x16xf32>
    tpu.vector_store %arg7[%swap3A_952, %swap3A_953], %swap3A_956 {strides = array<i32>} : memref<32x32xf32, #tpu.memory_space<vmem>>, vector<1x16xf32>,
    %get3A_957 = arith.constant 28 : i32
    %get3A_958 = arith.index_cast %get3A_957 : i32 to index
    %get3A_959 = arith.constant 0 : index
    %get3A_960 = tpu.vector_load %arg7[%get3A_958, %get3A_959] {strides = array<i32>} : memref<32x32xf32, #tpu.memory_space<vmem>>, vector<1x16xf32>,
    %get3A_961 = vector.shape_cast %get3A_960 : vector<1x16xf32> to vector<16xf32>
    %get3A_962 = arith.constant 4 : i32
    %get3A_963 = arith.index_cast %get3A_962 : i32 to index
    %get3A_964 = arith.constant 0 : index
    %get3A_965 = tpu.vector_load %arg8[%get3A_963, %get3A_964] {strides = array<i32>} : memref<8x32xf32, #tpu.memory_space<vmem>>, vector<1x16xf32>,
    %get3A_966 = vector.shape_cast %get3A_965 : vector<1x16xf32> to vector<16xf32>
    %add3A_967 = arith.addf %get3A_961, %get3A_966 : vector<16xf32>
    %swap3A_968 = arith.constant 28 : i32
    %swap3A_969 = arith.index_cast %swap3A_968 : i32 to index
    %swap3A_970 = arith.constant 0 : index
    %swap3A_971 = tpu.vector_load %arg7[%swap3A_969, %swap3A_970] {strides = array<i32>} : memref<32x32xf32, #tpu.memory_space<vmem>>, vector<1x16xf32>,
    %swap3A_972 = vector.shape_cast %swap3A_971 : vector<1x16xf32> to vector<16xf32>
    %swap3A_973 = vector.shape_cast %add3A_967 : vector<16xf32> to vector<1x16xf32>
    tpu.vector_store %arg7[%swap3A_969, %swap3A_970], %swap3A_973 {strides = array<i32>} : memref<32x32xf32, #tpu.memory_space<vmem>>, vector<1x16xf32>,
    %get3A_974 = arith.constant 28 : i32
    %get3A_975 = arith.index_cast %get3A_974 : i32 to index
    %get3A_976 = arith.constant 16 : index
    %get3A_977 = tpu.vector_load %arg7[%get3A_975, %get3A_976] {strides = array<i32>} : memref<32x32xf32, #tpu.memory_space<vmem>>, vector<1x16xf32>,
    %get3A_978 = vector.shape_cast %get3A_977 : vector<1x16xf32> to vector<16xf32>
    %get3A_979 = arith.constant 4 : i32
    %get3A_980 = arith.index_cast %get3A_979 : i32 to index
    %get3A_981 = arith.constant 16 : index
    %get3A_982 = tpu.vector_load %arg8[%get3A_980, %get3A_981] {strides = array<i32>} : memref<8x32xf32, #tpu.memory_space<vmem>>, vector<1x16xf32>,
    %get3A_983 = vector.shape_cast %get3A_982 : vector<1x16xf32> to vector<16xf32>
    %add3A_984 = arith.addf %get3A_978, %get3A_983 : vector<16xf32>
    %swap3A_985 = arith.constant 28 : i32
    %swap3A_986 = arith.index_cast %swap3A_985 : i32 to index
    %swap3A_987 = arith.constant 16 : index
    %swap3A_988 = tpu.vector_load %arg7[%swap3A_986, %swap3A_987] {strides = array<i32>} : memref<32x32xf32, #tpu.memory_space<vmem>>, vector<1x16xf32>,
    %swap3A_989 = vector.shape_cast %swap3A_988 : vector<1x16xf32> to vector<16xf32>
    %swap3A_990 = vector.shape_cast %add3A_984 : vector<16xf32> to vector<1x16xf32>
    tpu.vector_store %arg7[%swap3A_986, %swap3A_987], %swap3A_990 {strides = array<i32>} : memref<32x32xf32, #tpu.memory_space<vmem>>, vector<1x16xf32>,
    %get3A_991 = arith.constant 29 : i32
    %get3A_992 = arith.index_cast %get3A_991 : i32 to index
    %get3A_993 = arith.constant 0 : index
    %get3A_994 = tpu.vector_load %arg7[%get3A_992, %get3A_993] {strides = array<i32>} : memref<32x32xf32, #tpu.memory_space<vmem>>, vector<1x16xf32>,
    %get3A_995 = vector.shape_cast %get3A_994 : vector<1x16xf32> to vector<16xf32>
    %get3A_996 = arith.constant 5 : i32
    %get3A_997 = arith.index_cast %get3A_996 : i32 to index
    %get3A_998 = arith.constant 0 : index
    %get3A_999 = tpu.vector_load %arg8[%get3A_997, %get3A_998] {strides = array<i32>} : memref<8x32xf32, #tpu.memory_space<vmem>>, vector<1x16xf32>,
    %get3A_1000 = vector.shape_cast %get3A_999 : vector<1x16xf32> to vector<16xf32>
    %add3A_1001 = arith.addf %get3A_995, %get3A_1000 : vector<16xf32>
    %swap3A_1002 = arith.constant 29 : i32
    %swap3A_1003 = arith.index_cast %swap3A_1002 : i32 to index
    %swap3A_1004 = arith.constant 0 : index
    %swap3A_1005 = tpu.vector_load %arg7[%swap3A_1003, %swap3A_1004] {strides = array<i32>} : memref<32x32xf32, #tpu.memory_space<vmem>>, vector<1x16xf32>,
    %swap3A_1006 = vector.shape_cast %swap3A_1005 : vector<1x16xf32> to vector<16xf32>
    %swap3A_1007 = vector.shape_cast %add3A_1001 : vector<16xf32> to vector<1x16xf32>
    tpu.vector_store %arg7[%swap3A_1003, %swap3A_1004], %swap3A_1007 {strides = array<i32>} : memref<32x32xf32, #tpu.memory_space<vmem>>, vector<1x16xf32>,
    %get3A_1008 = arith.constant 29 : i32
    %get3A_1009 = arith.index_cast %get3A_1008 : i32 to index
    %get3A_1010 = arith.constant 16 : index
    %get3A_1011 = tpu.vector_load %arg7[%get3A_1009, %get3A_1010] {strides = array<i32>} : memref<32x32xf32, #tpu.memory_space<vmem>>, vector<1x16xf32>,
    %get3A_1012 = vector.shape_cast %get3A_1011 : vector<1x16xf32> to vector<16xf32>
    %get3A_1013 = arith.constant 5 : i32
    %get3A_1014 = arith.index_cast %get3A_1013 : i32 to index
    %get3A_1015 = arith.constant 16 : index
    %get3A_1016 = tpu.vector_load %arg8[%get3A_1014, %get3A_1015] {strides = array<i32>} : memref<8x32xf32, #tpu.memory_space<vmem>>, vector<1x16xf32>,
    %get3A_1017 = vector.shape_cast %get3A_1016 : vector<1x16xf32> to vector<16xf32>
    %add3A_1018 = arith.addf %get3A_1012, %get3A_1017 : vector<16xf32>
    %swap3A_1019 = arith.constant 29 : i32
    %swap3A_1020 = arith.index_cast %swap3A_1019 : i32 to index
    %swap3A_1021 = arith.constant 16 : index
    %swap3A_1022 = tpu.vector_load %arg7[%swap3A_1020, %swap3A_1021] {strides = array<i32>} : memref<32x32xf32, #tpu.memory_space<vmem>>, vector<1x16xf32>,
    %swap3A_1023 = vector.shape_cast %swap3A_1022 : vector<1x16xf32> to vector<16xf32>
    %swap3A_1024 = vector.shape_cast %add3A_1018 : vector<16xf32> to vector<1x16xf32>
    tpu.vector_store %arg7[%swap3A_1020, %swap3A_1021], %swap3A_1024 {strides = array<i32>} : memref<32x32xf32, #tpu.memory_space<vmem>>, vector<1x16xf32>,
    %get3A_1025 = arith.constant 30 : i32
    %get3A_1026 = arith.index_cast %get3A_1025 : i32 to index
    %get3A_1027 = arith.constant 0 : index
    %get3A_1028 = tpu.vector_load %arg7[%get3A_1026, %get3A_1027] {strides = array<i32>} : memref<32x32xf32, #tpu.memory_space<vmem>>, vector<1x16xf32>,
    %get3A_1029 = vector.shape_cast %get3A_1028 : vector<1x16xf32> to vector<16xf32>
    %get3A_1030 = arith.constant 6 : i32
    %get3A_1031 = arith.index_cast %get3A_1030 : i32 to index
    %get3A_1032 = arith.constant 0 : index
    %get3A_1033 = tpu.vector_load %arg8[%get3A_1031, %get3A_1032] {strides = array<i32>} : memref<8x32xf32, #tpu.memory_space<vmem>>, vector<1x16xf32>,
    %get3A_1034 = vector.shape_cast %get3A_1033 : vector<1x16xf32> to vector<16xf32>
    %add3A_1035 = arith.addf %get3A_1029, %get3A_1034 : vector<16xf32>
    %swap3A_1036 = arith.constant 30 : i32
    %swap3A_1037 = arith.index_cast %swap3A_1036 : i32 to index
    %swap3A_1038 = arith.constant 0 : index
    %swap3A_1039 = tpu.vector_load %arg7[%swap3A_1037, %swap3A_1038] {strides = array<i32>} : memref<32x32xf32, #tpu.memory_space<vmem>>, vector<1x16xf32>,
    %swap3A_1040 = vector.shape_cast %swap3A_1039 : vector<1x16xf32> to vector<16xf32>
    %swap3A_1041 = vector.shape_cast %add3A_1035 : vector<16xf32> to vector<1x16xf32>
    tpu.vector_store %arg7[%swap3A_1037, %swap3A_1038], %swap3A_1041 {strides = array<i32>} : memref<32x32xf32, #tpu.memory_space<vmem>>, vector<1x16xf32>,
    %get3A_1042 = arith.constant 30 : i32
    %get3A_1043 = arith.index_cast %get3A_1042 : i32 to index
    %get3A_1044 = arith.constant 16 : index
    %get3A_1045 = tpu.vector_load %arg7[%get3A_1043, %get3A_1044] {strides = array<i32>} : memref<32x32xf32, #tpu.memory_space<vmem>>, vector<1x16xf32>,
    %get3A_1046 = vector.shape_cast %get3A_1045 : vector<1x16xf32> to vector<16xf32>
    %get3A_1047 = arith.constant 6 : i32
    %get3A_1048 = arith.index_cast %get3A_1047 : i32 to index
    %get3A_1049 = arith.constant 16 : index
    %get3A_1050 = tpu.vector_load %arg8[%get3A_1048, %get3A_1049] {strides = array<i32>} : memref<8x32xf32, #tpu.memory_space<vmem>>, vector<1x16xf32>,
    %get3A_1051 = vector.shape_cast %get3A_1050 : vector<1x16xf32> to vector<16xf32>
    %add3A_1052 = arith.addf %get3A_1046, %get3A_1051 : vector<16xf32>
    %swap3A_1053 = arith.constant 30 : i32
    %swap3A_1054 = arith.index_cast %swap3A_1053 : i32 to index
    %swap3A_1055 = arith.constant 16 : index
    %swap3A_1056 = tpu.vector_load %arg7[%swap3A_1054, %swap3A_1055] {strides = array<i32>} : memref<32x32xf32, #tpu.memory_space<vmem>>, vector<1x16xf32>,
    %swap3A_1057 = vector.shape_cast %swap3A_1056 : vector<1x16xf32> to vector<16xf32>
    %swap3A_1058 = vector.shape_cast %add3A_1052 : vector<16xf32> to vector<1x16xf32>
    tpu.vector_store %arg7[%swap3A_1054, %swap3A_1055], %swap3A_1058 {strides = array<i32>} : memref<32x32xf32, #tpu.memory_space<vmem>>, vector<1x16xf32>,
    %get3A_1059 = arith.constant 31 : i32
    %get3A_1060 = arith.index_cast %get3A_1059 : i32 to index
    %get3A_1061 = arith.constant 0 : index
    %get3A_1062 = tpu.vector_load %arg7[%get3A_1060, %get3A_1061] {strides = array<i32>} : memref<32x32xf32, #tpu.memory_space<vmem>>, vector<1x16xf32>,
    %get3A_1063 = vector.shape_cast %get3A_1062 : vector<1x16xf32> to vector<16xf32>
    %get3A_1064 = arith.constant 7 : i32
    %get3A_1065 = arith.index_cast %get3A_1064 : i32 to index
    %get3A_1066 = arith.constant 0 : index
    %get3A_1067 = tpu.vector_load %arg8[%get3A_1065, %get3A_1066] {strides = array<i32>} : memref<8x32xf32, #tpu.memory_space<vmem>>, vector<1x16xf32>,
    %get3A_1068 = vector.shape_cast %get3A_1067 : vector<1x16xf32> to vector<16xf32>
    %add3A_1069 = arith.addf %get3A_1063, %get3A_1068 : vector<16xf32>
    %swap3A_1070 = arith.constant 31 : i32
    %swap3A_1071 = arith.index_cast %swap3A_1070 : i32 to index
    %swap3A_1072 = arith.constant 0 : index
    %swap3A_1073 = tpu.vector_load %arg7[%swap3A_1071, %swap3A_1072] {strides = array<i32>} : memref<32x32xf32, #tpu.memory_space<vmem>>, vector<1x16xf32>,
    %swap3A_1074 = vector.shape_cast %swap3A_1073 : vector<1x16xf32> to vector<16xf32>
    %swap3A_1075 = vector.shape_cast %add3A_1069 : vector<16xf32> to vector<1x16xf32>
    tpu.vector_store %arg7[%swap3A_1071, %swap3A_1072], %swap3A_1075 {strides = array<i32>} : memref<32x32xf32, #tpu.memory_space<vmem>>, vector<1x16xf32>,
    %get3A_1076 = arith.constant 31 : i32
    %get3A_1077 = arith.index_cast %get3A_1076 : i32 to index
    %get3A_1078 = arith.constant 16 : index
    %get3A_1079 = tpu.vector_load %arg7[%get3A_1077, %get3A_1078] {strides = array<i32>} : memref<32x32xf32, #tpu.memory_space<vmem>>, vector<1x16xf32>,
    %get3A_1080 = vector.shape_cast %get3A_1079 : vector<1x16xf32> to vector<16xf32>
    %get3A_1081 = arith.constant 7 : i32
    %get3A_1082 = arith.index_cast %get3A_1081 : i32 to index
    %get3A_1083 = arith.constant 16 : index
    %get3A_1084 = tpu.vector_load %arg8[%get3A_1082, %get3A_1083] {strides = array<i32>} : memref<8x32xf32, #tpu.memory_space<vmem>>, vector<1x16xf32>,
    %get3A_1085 = vector.shape_cast %get3A_1084 : vector<1x16xf32> to vector<16xf32>
    %add3A_1086 = arith.addf %get3A_1080, %get3A_1085 : vector<16xf32>
    %swap3A_1087 = arith.constant 31 : i32
    %swap3A_1088 = arith.index_cast %swap3A_1087 : i32 to index
    %swap3A_1089 = arith.constant 16 : index
    %swap3A_1090 = tpu.vector_load %arg7[%swap3A_1088, %swap3A_1089] {strides = array<i32>} : memref<32x32xf32, #tpu.memory_space<vmem>>, vector<1x16xf32>,
    %swap3A_1091 = vector.shape_cast %swap3A_1090 : vector<1x16xf32> to vector<16xf32>
    %swap3A_1092 = vector.shape_cast %add3A_1086 : vector<16xf32> to vector<1x16xf32>
    tpu.vector_store %arg7[%swap3A_1088, %swap3A_1089], %swap3A_1092 {strides = array<i32>} : memref<32x32xf32, #tpu.memory_space<vmem>>, vector<1x16xf32>,
    "tpu.region"() ({
      %run_scoped3A = tpu.sem_alloc : memref<!tpu.dma_semaphore, #tpu.memory_space<semaphore_mem>>
      %dma_start3A_1093 = arith.constant 0 : i32
      %dma_start3A_1094 = tpu.memref_slice %arg5[%mul3A_2, %dma_start3A_1093] : memref<1024x32xf32, #tpu.memory_space<hbm>> -> memref<32x32xf32, #tpu.memory_space<hbm>>
      %dma_start3A_1095 = arith.constant 0 : i32
      %dma_start3A_1096 = tpu.memref_slice %arg5[%mul3A_2, %dma_start3A_1095] : memref<1024x32xf32, #tpu.memory_space<hbm>> -> memref<32x32xf32, #tpu.memory_space<hbm>>
      tpu.enqueue_dma source(%arg7 : memref<32x32xf32, #tpu.memory_space<vmem>>) target(%dma_start3A_1096 : memref<32x32xf32, #tpu.memory_space<hbm>>) target_semaphore(%run_scoped3A : memref<!tpu.dma_semaphore, #tpu.memory_space<semaphore_mem>>)
      %dma_wait3A_1097 = arith.constant 0 : i32
      %dma_wait3A_1098 = tpu.memref_slice %arg5[%mul3A_2, %dma_wait3A_1097] : memref<1024x32xf32, #tpu.memory_space<hbm>> -> memref<32x32xf32, #tpu.memory_space<hbm>>
      %dma_wait3A_1099 = arith.constant 0 : i32
      %dma_wait3A_1100 = tpu.memref_slice %arg5[%mul3A_2, %dma_wait3A_1099] : memref<1024x32xf32, #tpu.memory_space<hbm>> -> memref<32x32xf32, #tpu.memory_space<hbm>>
      tpu.wait_dma2 semaphore(%run_scoped3A : memref<!tpu.dma_semaphore, #tpu.memory_space<semaphore_mem>>) src(%arg7 : memref<32x32xf32, #tpu.memory_space<vmem>>) dst(%dma_wait3A_1100 : memref<32x32xf32, #tpu.memory_space<hbm>>)
      tpu.yield
    }) : () -> ()
    return
  }
}

module attributes {stable_mosaic.version = 14 : i64} {
  func.func @_mm_body(%arg0: i32, %arg1: memref<32x32xf32, #tpu.memory_space<vmem>>, %arg2: memref<32x100000xf32, #tpu.memory_space<vmem>>, %arg3: memref<1x100000xf32, #tpu.memory_space<vmem>>, %arg4: memref<32x100000xf32, #tpu.memory_space<vmem>>) attributes {dimension_semantics = [#tpu.dimension_semantics<arbitrary>], iteration_bounds = array<i64: 32>, scalar_prefetch = 0 : i64, scratch_operands = 0 : i64, tpu.core_type = #tpu.core_type<tc>, window_params = [{transform_indices = @transform_0, window_bounds = array<i64: 32, 32>}, {pipeline_mode = #tpu.pipeline_mode<synchronous>, transform_indices = @transform_1, window_bounds = array<i64: 32, 100000>}, {pipeline_mode = #tpu.pipeline_mode<synchronous>, transform_indices = @transform_2, window_bounds = array<i64: 1, 100000>}, {transform_indices = @transform_3, window_bounds = array<i64: 32, 100000>}]} {
    %get3A = arith.constant 0 : index
    %get3A_0 = arith.constant 0 : index
    %get3A_1 = vector.load %arg1[%get3A, %get3A_0] : memref<32x32xf32, #tpu.memory_space<vmem>>, vector<32x32xf32>
    %get3A_2 = arith.constant 0 : index
    %get3A_3 = arith.constant 0 : index
    %get3A_4 = vector.load %arg2[%get3A_2, %get3A_3] : memref<32x100000xf32, #tpu.memory_space<vmem>>, vector<32x100000xf32>
    %dot_general3A = arith.constant dense<0.000000e+00> : vector<32x100000xf32>
    %dot_general3A_5 = tpu.matmul %get3A_1, %get3A_4, %dot_general3A {dimension_numbers = #tpu.dot_dimension_numbers<[1], [0], [0], [1], [0, 0, 1, 1], [], []>, transpose_lhs_hint = false} : vector<32x32xf32>, vector<32x100000xf32>, vector<32x100000xf32> -> vector<32x100000xf32>
    %get3A_6 = arith.constant 0 : index
    %get3A_7 = arith.constant 0 : index
    %get3A_8 = vector.load %arg3[%get3A_6, %get3A_7] : memref<1x100000xf32, #tpu.memory_space<vmem>>, vector<1x100000xf32>
    %add3A = vector.broadcast %get3A_8 : vector<1x100000xf32> to vector<32x100000xf32>
    %add3A_9 = arith.addf %dot_general3A_5, %add3A : vector<32x100000xf32>
    %swap3A = arith.constant 0 : index
    %swap3A_10 = arith.constant 0 : index
    %swap3A_11 = vector.load %arg4[%swap3A, %swap3A_10] : memref<32x100000xf32, #tpu.memory_space<vmem>>, vector<32x100000xf32>
    tpu.vector_store %arg4[%swap3A, %swap3A_10], %add3A_9 {strides = array<i32>} : memref<32x100000xf32, #tpu.memory_space<vmem>>, vector<32x100000xf32>,
    return
  }
  func.func @transform_0(%arg0: i32) -> (i32, i32) {
    %c0_i32 = arith.constant 0 : i32
    %c0_i32_0 = arith.constant 0 : i32
    return %arg0, %c0_i32 : i32, i32
  }
  func.func @transform_1(%arg0: i32) -> (i32, i32) {
    %c0_i32 = arith.constant 0 : i32
    %c0_i32_0 = arith.constant 0 : i32
    %c0_i32_1 = arith.constant 0 : i32
    return %c0_i32, %c0_i32_0 : i32, i32
  }
  func.func @transform_2(%arg0: i32) -> (i32, i32) {
    %c0_i32 = arith.constant 0 : i32
    %c0_i32_0 = arith.constant 0 : i32
    %c0_i32_1 = arith.constant 0 : i32
    return %c0_i32, %c0_i32_0 : i32, i32
  }
  func.func @transform_3(%arg0: i32) -> (i32, i32) {
    %c0_i32 = arith.constant 0 : i32
    %c0_i32_0 = arith.constant 0 : i32
    return %arg0, %c0_i32 : i32, i32
  }
}

</mosaic_0001>

<sc_bundles>
// kernel: kernel.4.cloned.1.call-start
scs
__scs_entry_jumppad:
0x0: {  	(pc) =	sbr.rel $0x88, $3  }
0x1: {  	(tag) =	ssettag $0x0;
	lr =	simm.s32 $0x1  }
0x2: {  	[smem:$0x3F9C] =	sst lr;
	_ =	strace $0xD0000000  }
0x3: {  	_ = 	snop  }
0x4: {  	_ = 	snop  }
0x5: {  	_ = 	snop  }
0x6: {  	_ = 	snop  }
0x7: {  	_ = 	snop  }
__scs_overlays_trampoline_lowered:
0x8: {  	[smem:$0x3FAB] =	sst s0  }
0x9: {  	[smem:$0x3FAC] =	sst s1  }
0xa: {  	[smem:$0x3FAD] =	sst s2  }
0xb: {  	[smem:$0x3FAE] =	sst s3  }
0xc: {  	[smem:$0x3FAF] =	sst s4  }
0xd: {  	[smem:$0x3FB0] =	sst s5  }
0xe: {  	[smem:$0x3FB1] =	sst s6  }
0xf: {  	[smem:$0x3FB2] =	sst s7  }
0x10: {  	[smem:$0x3FB3] =	sst s8  }
0x11: {  	[smem:$0x3FB4] =	sst s9;
	s0 =	simm.s32 @!p0 $0x0  }
0x12: {  	s1 =	sld [smem:$0x3F9A];
	s0 =	simm.s32 @p0 $0x1  }
0x13: {  	[smem:$0x3FB5] =	sst s0;
	s0 =	simm.s32 @!p1 $0x0  }
0x14: {  	s2 =	sld [smem:$0x3F99];
	s0 =	simm.s32 @p1 $0x1  }
0x15: {  	[smem:$0x3FB6] =	sst s0;
	s0 =	simm.s32 @!p2 $0x0  }
0x16: {  	s3 =	sld [smem:$0x3FDB];
	s0 =	simm.s32 @p2 $0x1  }
0x17: {  	s4 =	simm.s32 $0x1BF5;
	[smem:$0x3FB8] =	sst s0  }
0x18: {  	s0 =	sld [smem:$0x3F9B];
	_ =	swait.ge [sflag:s4], $0x0  }
0x19: {  	s7 =	sld [smem:$0x3F9C]  }
0x1a: {  	s8 =	sadd.s32 $0xFFFFE003, lr  }
0x1b: {  	s9 =	sadd.s32 $0xFFFFFEF7, lr;
	s5 =	simm.s32 $0xFFFFFFFF;
	p2 =	slt.u32 s8, $0xFFFFF086  }
0x1c: {  	p1 =	slt.u32 s9, $0xF7A;
	s5 =	simm.s32 @!p2 $0x0  }
0x1d: {  	s5 =	simm.s32 @p1 $0x1;
	p0 =	seq.s32 s7, s2  }
0x1e: {  	s7 =	smul.u32 @!p0 $0xF7A, s2;
	p2 =	seq.s32 @!p0 s5, $0x0  }
0x1f: {  	s9 =	smul.u32 $0xF7A, s1;
	s8 =	simm.s32 @!p0 $0x1BF5;
	p2 =	por !p2, p0  }
0x20: {  	[sflag:s8] =	ssyncset.s32 @!p0 $0xFFFFF086;
	s6 =	sadd.s32 @!p0 s3, s7;
	s7 =	simm.s32 @!p0 $0x108  }
0x21: {  	s3 =	sadd.s32 s3, s9;
	s6 =	sadd.s32 @!p0 $0x88, s6;
	s7 =	simm.s32 @p2 $0x1082  }
0x22: {  	[simem:s7], [sflag:s8] =	dma.local @!p0 [hbm:s6], $0xF7A  }
0x23: {  	s9 =	sor.u32 $0xD0000000, s2;
	s6 =	simm.s32 $0x108;
	_ =	swait.ge @!p0 [sflag:s8], $0x0  }
0x24: {  	s3 =	sadd.s32 $0x88, s3;
	s6 =	simm.s32 @!p1 $0x1082;
	[sflag:s4] =	ssyncset.s32 $0xFFFFF086  }
0x25: {  	[simem:s6], [sflag:s4] =	dma.local [hbm:s3], $0xF7A  }
0x26: {  	[smem:$0x3F9C] =	sst s1;
	(tag) =	ssettag s2;
	_ =	strace s9  }
0x27: {  	s1 =	sld [smem:$0x3FAC]  }
0x28: {  	s2 =	sld [smem:$0x3FAD]  }
0x29: {  	s4 =	sld [smem:$0x3FAF]  }
0x2a: {  	p0 =	seq.s32 s5, $0x0;
	s5 =	sld [smem:$0x3FB0]  }
0x2b: {  	s6 =	sld [smem:$0x3FB1]  }
0x2c: {  	s7 =	sld [smem:$0x3FB2]  }
0x2d: {  	s3 =	simm.s32 $0x108;
	s8 =	sld [smem:$0x3FB3]  }
0x2e: {  	s3 =	simm.s32 @!p0 $0x1082;
	s9 =	sld [smem:$0x3FB4]  }
0x2f: {  	lr =	sadd.s32 s0, s3;
	s0 =	sld [smem:$0x3FAB]  }
0x30: {  	s3 =	sld [smem:$0x3FAE]  }
0x31: {  	[smem:$0x3FB7] =	sst s10  }
0x32: {  	s10 =	sld [smem:$0x3FB5];
	_ =	sdelay $0x3  }
0x33: {  	p0 =	seq.s32 s10, $0x1;
	s10 =	sld [smem:$0x3FB7];
	_ =	sdelay $0x3  }
0x34: {  	[smem:$0x3FB7] =	sst s10  }
0x35: {  	s10 =	sld [smem:$0x3FB6];
	_ =	sdelay $0x3  }
0x36: {  	p1 =	seq.s32 s10, $0x1;
	s10 =	sld [smem:$0x3FB7];
	_ =	sdelay $0x3  }
0x37: {  	[smem:$0x3FB7] =	sst s10  }
0x38: {  	s10 =	sld [smem:$0x3FB8]  }
0x39: {  	_ = 	snop;
	(pc) =	sbr.ind lr, $3  }
0x3a: {  	_ = 	snop  }
0x3b: {  	_ = 	snop  }
0x3c: {  	p2 =	seq.s32 s10, $0x1;
	s10 =	sld [smem:$0x3FB7]  }
0x3d: {  	_ =	shalt  }
0x3e: {  	_ =	shalt  }
0x3f: {  	_ =	shalt  }
0x40: {  	_ =	shalt  }
0x41: {  	_ =	shalt  }
0x42: {  	_ =	shalt  }
0x43: {  	_ =	shalt  }
0x44: {  	_ =	shalt  }
0x45: {  	_ =	shalt  }
0x46: {  	_ =	shalt  }
0x47: {  	_ =	shalt  }
0x48: {  	_ =	shalt  }
0x49: {  	_ =	shalt  }
0x4a: {  	_ =	shalt  }
0x4b: {  	_ =	shalt  }
0x4c: {  	_ =	shalt  }
0x4d: {  	_ =	shalt  }
0x4e: {  	_ =	shalt  }
0x4f: {  	_ =	shalt  }
0x50: {  	_ =	shalt  }
0x51: {  	_ =	shalt  }
0x52: {  	_ =	shalt  }
0x53: {  	_ =	shalt  }
0x54: {  	_ =	shalt  }
0x55: {  	_ =	shalt  }
0x56: {  	_ =	shalt  }
0x57: {  	_ =	shalt  }
0x58: {  	_ =	shalt  }
0x59: {  	_ =	shalt  }
0x5a: {  	_ =	shalt  }
0x5b: {  	_ =	shalt  }
0x5c: {  	_ =	shalt  }
0x5d: {  	_ =	shalt  }
0x5e: {  	_ =	shalt  }
0x5f: {  	_ =	shalt  }
0x60: {  	_ =	shalt  }
0x61: {  	_ =	shalt  }
0x62: {  	_ =	shalt  }
0x63: {  	_ =	shalt  }
0x64: {  	_ =	shalt  }
0x65: {  	_ =	shalt  }
0x66: {  	_ =	shalt  }
0x67: {  	_ =	shalt  }
0x68: {  	_ =	shalt  }
0x69: {  	_ =	shalt  }
0x6a: {  	_ =	shalt  }
0x6b: {  	_ =	shalt  }
0x6c: {  	_ =	shalt  }
0x6d: {  	_ =	shalt  }
0x6e: {  	_ =	shalt  }
0x6f: {  	_ =	shalt  }
0x70: {  	_ =	shalt  }
0x71: {  	_ =	shalt  }
0x72: {  	_ =	shalt  }
0x73: {  	_ =	shalt  }
0x74: {  	_ =	shalt  }
0x75: {  	_ =	shalt  }
0x76: {  	_ =	shalt  }
0x77: {  	_ =	shalt  }
0x78: {  	_ =	shalt  }
0x79: {  	_ =	shalt  }
0x7a: {  	_ =	shalt  }
0x7b: {  	_ =	shalt  }
0x7c: {  	_ =	shalt  }
0x7d: {  	_ =	shalt  }
0x7e: {  	_ =	shalt  }
0x7f: {  	_ =	shalt  }
0x80: {  	_ =	shalt  }
0x81: {  	_ =	shalt  }
0x82: {  	_ =	shalt  }
0x83: {  	_ =	shalt  }
0x84: {  	_ =	shalt  }
0x85: {  	_ =	shalt  }
0x86: {  	_ =	shalt  }
0x87: {  	_ =	shalt  }
.Lfunc_end0:
.L_simem_size_0:
called_computation.1_lowered:
.L_overlay_start_0:
0x88: {  	s2 =	sld [smem:$0x3FD9]  }
0x89: {  	s3 =	sld [smem:$0x3FFE];
	_ =	sdelay $0x1  }
0x8a: {  	s1 =	srdreg.scid  }
0x8b: {  	s0 =	sand.u32 $0x1, s1  }
0x8c: {  	s17 =	sshll.u32 s0, $0xA;
	s2 =	sadd.s32 s3, s2  }
0x8d: {  	s2 =	sadd.s32 s2, s17  }
0x8e: {  	[smem:$0x3FC3] =	sst s2  }
0x8f: {  	_ = 	snop  }
0x90: {  	s2 =	sld [smem:$0x3FD0];
	(tm) =	ssettm $0x1  }
0x91: {  	s18 =	sld [smem:$0x3FFB];
	_ =	sdelay $0x3  }
0x92: {  	_ =	strace s18  }
0x93: {  	s3 =	sld [smem:$0x3FFC];
	_ =	sdelay $0x3  }
0x94: {  	_ =	strace s3  }
0x95: {  	s3 =	sld [smem:$0x3FFD];
	_ =	sdelay $0x3  }
0x96: {  	_ =	strace s3  }
0x97: {  	_ =	strace $0x8FFFFFFF  }
0x98: {  	s19 =	sld [smem:$0x3FDB];
	_ =	sdelay $0x1  }
0x99: {  	s4 =	simm.s32 $_scs_section_size  }
0x9a: {  	s5 =	simm.s32 $_size__tile_overlayer_lowered;
	s6 =	simm.s32 $_tile_overlayer_lowered  }
0x9b: {  	s22 =	simm.s32 $0x1BFF;
	s21 =	sshll.u32 s6, $0x1;
	s3 =	sadd.s32 s4, s19  }
0x9c: {  	s7 =	simm.s32 $0x0;
	s20 =	sshll.u32 s5, $0x1;
	s5 =	sadd.s32 s21, s3  }
0x9d: {  	[timem:s7], [sflag:s22] =	dma.local [hbm:s5], s20  }
0x9e: {  	_ =	swait.ge [sflag:s22], s20  }
0x9f: {  	s4 =	ssub.s32 $0x0, s20;
	[sflag:s22] =	ssyncset.done $0x0  }
0xa0: {  	[sflag:s22] =	ssyncadd.s32 s4;
	_ =	sdelay $0x1  }
0xa1: {  	s23 =	simm.s32 $0x1B8B  }
0xa2: {  	_ =	swait.ge [sflag:s23], $0x1  }
0xa3: {  	[sflag:s23] =	ssyncset.done $0x0  }
0xa4: {  	s25 =	simm.s32 $0x1B8E;
	s24 =	sld [smem:$0x3FFE];
	[sflag:s23] =	ssyncadd.s32 $0xFFFFFFFF  }
0xa5: {  	s26 =	simm.s32 $execute0_lowered;
	[smem:$0x3FD2] =	sst s25  }
0xa6: {  	s5 =	sshll.u32 s26, $0x1;
	_ =	strace $0x80000046;
	[dreg:$0x1] =	wrdreg $0xFFFFFFFF  }
0xa7: {  	s28 =	simm.s32 $_size_execute0_lowered;
	s3 =	sadd.s32 s3, s5;
	[dreg:$0x0] =	wrdreg $0x0  }
0xa8: {  	s5 =	sshll.u32 s28, $0x1;
	[dreg:$0x2] =	wrdreg s3  }
0xa9: {  	[dreg:$0x3] =	wrdreg s5  }
0xaa: {  	[dreg:$0x4] =	wrdreg $0xC0  }
0xab: {  	_ =	task [dreg:s7], $0x5FFFF  }
0xac: {  	[dreg:$0x1] =	wrdreg $0xFFFFFFFF  }
0xad: {  	[dreg:$0x0] =	wrdreg $0x60  }
0xae: {  	[dreg:$0x2] =	wrdreg s24  }
0xaf: {  	[dreg:$0x3] =	wrdreg s2  }
0xb0: {  	[dreg:$0x4] =	wrdreg $0x9  }
0xb1: {  	_ =	task.clear_ibuf [dreg:s7], $0x5FFFF;
	_ =	strace $0x90000046  }
0xb2: {  	s29 =	simm.s32 $0x9;
	_ =	strace $0x80000048  }
0xb3: {  	_ =	swait.ge [sflag:s29], $0x1  }
0xb4: {  	[sflag:s29] =	ssyncadd.s32 $0xFFFFFFFF  }
0xb5: {  	_ =	strace $0x90000048  }
0xb6: {  	_ =	sfence  }
0xb7: {  	s30 =	sld [smem:$0x0];
	_ =	sdelay $0x2  }
0xb8: {  	s31 =	sshll.u32 s1, $0xD;
	s1 =	sshrl.u32 s1, $0x2  }
0xb9: {  	s3 =	sand.u32 $0x4000, s31;
	s1 =	sadd.s32 s1, s30  }
0xba: {  	s0 =	sor.u32 s3, s0;
	s1 =	sshll.u32 s1, $0x11  }
0xbb: {  	s0 =	sor.u32 s1, s0  }
0xbc: {  	s0 =	sadd.s32 $0x8F2B, s0  }
0xbd: {  	[sflag:s0] =	ssyncadd.remote.s32 $0x1  }
0xbe: {  	_ =	sfence.sel $0xFFFF  }
0xbf: {  	[dreg:$0x0] =	wrdreg $0xFFFFFFFF;
	(pc) =	sbr.abs _section_cstart, $3  }
0xc0: {  	[dreg:$0x1] =	wrdreg $0xFFFFFFFF  }
0xc1: {  	_ =	task.clear_ibuf [dreg:s7], $0x2FFFF;
	_ =	strace $0x9FFFFFFF  }
0xc2: {  	(tm) =	ssettm $0x7FFFFFFF  }
0xc3: {  	_ =	shalt  }
tec
execute0_lowered:
.L_overlay_start_1:
0x0: {  	(tag) =	ssettag $0x1  }
0x1: {  	s4 =	rddreg [dreg:$0x0]  }
0x2: {  	s6 =	rddreg [dreg:$0x1]  }
0x3: {  	s0 =	rddreg [dreg:$0x2]  }
0x4: {  	s3 =	srdreg.scid;
	s2 =	simm.s32 $0x0;
	s1 =	stileid.u32  }
0x5: {  	s10 =	simm.s32 $0x20;
	s11 =	simm.s32 $0x1;
	s5 =	sand.u32 $0x1, s3  }
0x6: {  	[smem:$0x7FF] =	sst s2;
	s31 =	sshll.u32 s1, $0x6;
	s7 =	sshll.u32 s5, $0x5  }
0x7: {  	s3 =	sadd.s32 $0x1E00, s4;
	s5 =	ssub.s32 $0x2, s5;
	s7 =	sor.u32 s7, s31  }
0x8: {  	_ =	strace $0x80000047;
	s9 =	sshrl.u32 s5, $0x1;
	s8 =	sshrl.u32 s7, $0x3  }
0x9: {  	s9 =	ssub.s32 s5, s9;
	s7 =	sshll.u32 s7, $0x2;
	s8 =	sadd.s32 s8, s4  }
0xa: {  	s4 =	sadd.s32 $0x1A00, s4;
	s6 =	sadd.s32 s6, s7;
	s7 =	smax.u32 s9, $0x1  }
0xb: {  	s9 =	simm.s32 $0x420;
	s5 =	sadd.s32 $0x1C00, s8;
	s8 =	simm.s32 $0x2  }
.LBB2_1:
0xc: {  	[tilespmem:s2], [sflag:$0x2] =	stream.linear.gather [hbm4b:s5+s2], $0x20, $0x38;
	[tilespmem:$0x520] =	vst v63  }
0xd: {  	_ =	swait.ge [sflag:s8], $0x20  }
0xe: {  	[sflag:s8] =	ssyncset.done $0x0  }
0xf: {  	[sflag:s8] =	ssyncadd.s32 $0xFFFFFFE0  }
0x10: {  	[tilespmem:s9], [sflag:$0x2] =	stream.linear.gather [hbm4b:s4+s2], $0x100, $0x38;
	[tilespmem:$0x520] =	vst v63  }
0x11: {  	_ =	swait.ge [sflag:s8], $0x100  }
0x12: {  	[sflag:s8] =	ssyncset.done $0x0  }
0x13: {  	[sflag:s8] =	ssyncadd.s32 $0xFFFFFF00  }
0x14: {  	[tilespmem:s10], [sflag:$0x1] =	stream.indirect.gather [hbm4b:s3+s10], $0x20, s2, s10, $0xb8;
	[tilespmem:$0x520] =	vst v63  }
0x15: {  	_ =	swait.ge [sflag:s11], $0x400  }
0x16: {  	[sflag:s11] =	ssyncset.done $0x0  }
0x17: {  	[sflag:s11] =	ssyncadd.s32 $0xFFFFFC00  }
0x18: {  	v0 =	vld [tilespmem:$0x20]  }
0x19: {  	v1 =	vld [tilespmem:$0x420]  }
0x1a: {  	v2 =	vld [tilespmem:$0x30]  }
0x1b: {  	v3 =	vld [tilespmem:$0x430]  }
0x1c: {  	v4 =	vld [tilespmem:$0x40]  }
0x1d: {  	v5 =	vld [tilespmem:$0x440]  }
0x1e: {  	v6 =	vld [tilespmem:$0x50]  }
0x1f: {  	v7 =	vld [tilespmem:$0x450]  }
0x20: {  	v8 =	vld [tilespmem:$0x60]  }
0x21: {  	v9 =	vld [tilespmem:$0x460]  }
0x22: {  	v10 =	vld [tilespmem:$0x70]  }
0x23: {  	v11 =	vld [tilespmem:$0x470]  }
0x24: {  	v12 =	vld [tilespmem:$0x80]  }
0x25: {  	v13 =	vld [tilespmem:$0x480]  }
0x26: {  	v14 =	vld [tilespmem:$0x90]  }
0x27: {  	v15 =	vld [tilespmem:$0x490]  }
0x28: {  	v16 =	vld [tilespmem:$0xA0]  }
0x29: {  	v17 =	vld [tilespmem:$0x4A0]  }
0x2a: {  	v18 =	vld [tilespmem:$0xB0]  }
0x2b: {  	v19 =	vld [tilespmem:$0x4B0]  }
0x2c: {  	v20 =	vld [tilespmem:$0xC0]  }
0x2d: {  	v21 =	vld [tilespmem:$0x4C0]  }
0x2e: {  	v22 =	vld [tilespmem:$0xD0]  }
0x2f: {  	v23 =	vld [tilespmem:$0x4D0]  }
0x30: {  	v24 =	vld [tilespmem:$0xE0]  }
0x31: {  	v25 =	vld [tilespmem:$0x4E0]  }
0x32: {  	v26 =	vld [tilespmem:$0xF0]  }
0x33: {  	v27 =	vld [tilespmem:$0x4F0]  }
0x34: {  	v28 =	vld [tilespmem:$0x100]  }
0x35: {  	v29 =	vld [tilespmem:$0x500]  }
0x36: {  	v30 =	vld [tilespmem:$0x110]  }
0x37: {  	v31 =	vld [tilespmem:$0x510]  }
0x38: {  	v32 =	vld [tilespmem:$0x120]  }
0x39: {  	v33 =	vld [tilespmem:$0x420]  }
0x3a: {  	v34 =	vld [tilespmem:$0x130]  }
0x3b: {  	v35 =	vld [tilespmem:$0x430]  }
0x3c: {  	v36 =	vld [tilespmem:$0x140]  }
0x3d: {  	v37 =	vld [tilespmem:$0x440]  }
0x3e: {  	v38 =	vld [tilespmem:$0x150]  }
0x3f: {  	v39 =	vld [tilespmem:$0x450]  }
0x40: {  	v40 =	vld [tilespmem:$0x160]  }
0x41: {  	v41 =	vld [tilespmem:$0x460]  }
0x42: {  	v42 =	vld [tilespmem:$0x170]  }
0x43: {  	v43 =	vld [tilespmem:$0x470]  }
0x44: {  	v44 =	vld [tilespmem:$0x180]  }
0x45: {  	v45 =	vld [tilespmem:$0x480]  }
0x46: {  	v46 =	vld [tilespmem:$0x190]  }
0x47: {  	v47 =	vld [tilespmem:$0x490]  }
0x48: {  	v48 =	vld [tilespmem:$0x1A0]  }
0x49: {  	v49 =	vld [tilespmem:$0x4A0]  }
0x4a: {  	v50 =	vld [tilespmem:$0x1B0]  }
0x4b: {  	v51 =	vld [tilespmem:$0x4B0]  }
0x4c: {  	v52 =	vld [tilespmem:$0x1C0]  }
0x4d: {  	v53 =	vld [tilespmem:$0x4C0]  }
0x4e: {  	v54 =	vld [tilespmem:$0x1D0]  }
0x4f: {  	v55 =	vld [tilespmem:$0x4D0]  }
0x50: {  	v56 =	vld [tilespmem:$0x1E0]  }
0x51: {  	v57 =	vld [tilespmem:$0x4E0]  }
0x52: {  	v58 =	vld [tilespmem:$0x1F0]  }
0x53: {  	v62 =	vld [tilespmem:$0x210]  }
0x54: {  	v59 =	vld [tilespmem:$0x4F0]  }
0x55: {  	v60 =	vld [tilespmem:$0x200]  }
0x56: {  	v61 =	vld [tilespmem:$0x500]  }
0x57: {  	v63 =	vld [tilespmem:$0x510]  }
0x58: {  	[tilespmem:$0x1FFA0] =	vst v62;
	v62 =	vld [tilespmem:$0x220]  }
0x59: {  	v0 =	vadd.f32 v1, v0;
	v1 =	vld [tilespmem:$0x440]  }
0x5a: {  	v2 =	vadd.f32 v3, v2;
	v3 =	vld [tilespmem:$0x250]  }
0x5b: {  	v9 =	vadd.f32 v9, v8;
	v8 =	vld [tilespmem:$0x470]  }
0x5c: {  	v13 =	vadd.f32 v13, v12;
	v12 =	vld [tilespmem:$0x490]  }
0x5d: {  	v15 =	vadd.f32 v15, v14;
	v14 =	vld [tilespmem:$0x4A0]  }
0x5e: {  	v17 =	vadd.f32 v17, v16;
	v16 =	vld [tilespmem:$0x4B0]  }
0x5f: {  	v19 =	vadd.f32 v19, v18;
	v18 =	vld [tilespmem:$0x4C0]  }
0x60: {  	v23 =	vadd.f32 v23, v22;
	v22 =	vld [tilespmem:$0x4E0];
	[tilespmem:$0x20] =	vst v0  }
0x61: {  	v25 =	vadd.f32 v25, v24;
	v24 =	vld [tilespmem:$0x4F0];
	[tilespmem:$0x30] =	vst v2  }
0x62: {  	v21 =	vadd.f32 v21, v20;
	v27 =	vadd.f32 v27, v26;
	v26 =	vld [tilespmem:$0x500];
	[tilespmem:$0x60] =	vst v9  }
0x63: {  	v31 =	vadd.f32 v31, v30;
	v30 =	vadd.f32 v45, v44;
	v45 =	vld [tilespmem:$0x450];
	[tilespmem:$0x80] =	vst v13  }
0x64: {  	v33 =	vadd.f32 v33, v32;
	v32 =	vadd.f32 v49, v48;
	v49 =	vld [tilespmem:$0x460];
	[tilespmem:$0x90] =	vst v15  }
0x65: {  	v35 =	vadd.f32 v35, v34;
	v34 =	vadd.f32 v53, v52;
	v53 =	vld [tilespmem:$0x470];
	[tilespmem:$0xA0] =	vst v17  }
0x66: {  	v37 =	vadd.f32 v37, v36;
	v36 =	vadd.f32 v57, v56;
	v57 =	vld [tilespmem:$0x480];
	[tilespmem:$0xB0] =	vst v19  }
0x67: {  	v0 =	vadd.f32 v5, v4;
	v4 =	vld [tilespmem:$0x450];
	[tilespmem:$0xC0] =	vst v21  }
0x68: {  	v5 =	vld [tilespmem:$0x260];
	[tilespmem:$0xD0] =	vst v23  }
0x69: {  	v29 =	vadd.f32 v29, v28;
	v9 =	vld [tilespmem:$0x280];
	[tilespmem:$0xE0] =	vst v25  }
0x6a: {  	v13 =	vld [tilespmem:$0x2A0];
	[tilespmem:$0xF0] =	vst v27  }
0x6b: {  	v15 =	vld [tilespmem:$0x2B0];
	[tilespmem:$0x100] =	vst v29  }
0x6c: {  	v17 =	vld [tilespmem:$0x2C0];
	[tilespmem:$0x110] =	vst v31  }
0x6d: {  	v19 =	vld [tilespmem:$0x2D0];
	[tilespmem:$0x120] =	vst v33  }
0x6e: {  	v28 =	vadd.f32 v41, v40;
	[tilespmem:$0x130] =	vst v35;
	v21 =	vld [tilespmem:$0x2E0]  }
0x6f: {  	[tilespmem:$0x140] =	vst v37;
	v23 =	vld [tilespmem:$0x2F0]  }
0x70: {  	[tilespmem:$0x160] =	vst v28;
	v25 =	vld [tilespmem:$0x300]  }
0x71: {  	[tilespmem:$0x180] =	vst v30;
	v28 =	vld [tilespmem:$0x510]  }
0x72: {  	[tilespmem:$0x1A0] =	vst v32;
	v30 =	vld [tilespmem:$0x420]  }
0x73: {  	[tilespmem:$0x1C0] =	vst v34;
	v32 =	vld [tilespmem:$0x430]  }
0x74: {  	v27 =	vadd.f32 v39, v38;
	[tilespmem:$0x1E0] =	vst v36;
	v39 =	vld [tilespmem:$0x1FFA0]  }
0x75: {  	v34 =	vld [tilespmem:$0x440];
	[tilespmem:$0x40] =	vst v0  }
0x76: {  	v29 =	vadd.f32 v43, v42;
	v31 =	vadd.f32 v47, v46;
	v47 =	vld [tilespmem:$0x360];
	[tilespmem:$0x150] =	vst v27  }
0x77: {  	[tilespmem:$0x1FFB0] =	vst v62;
	v62 =	vld [tilespmem:$0x420]  }
0x78: {  	v33 =	vadd.f32 v51, v50;
	v51 =	vld [tilespmem:$0x370];
	[tilespmem:$0x170] =	vst v29  }
0x79: {  	v35 =	vadd.f32 v55, v54;
	v55 =	vld [tilespmem:$0x380];
	[tilespmem:$0x190] =	vst v31  }
0x7a: {  	v37 =	vadd.f32 v59, v58;
	v59 =	vld [tilespmem:$0x390];
	[tilespmem:$0x1B0] =	vst v33  }
0x7b: {  	v38 =	vadd.f32 v61, v60;
	v61 =	vld [tilespmem:$0x490];
	[tilespmem:$0x1D0] =	vst v35  }
0x7c: {  	[tilespmem:$0x1FFC0] =	vst v62;
	v62 =	vld [tilespmem:$0x230]  }
0x7d: {  	v27 =	vld [tilespmem:$0x310];
	[tilespmem:$0x1F0] =	vst v37;
	v2 =	vadd.f32 v63, v39  }
0x7e: {  	v29 =	vld [tilespmem:$0x320];
	[tilespmem:$0x200] =	vst v38;
	v46 =	vadd.f32 v4, v3  }
0x7f: {  	v31 =	vld [tilespmem:$0x330];
	[tilespmem:$0x210] =	vst v2  }
0x80: {  	v33 =	vld [tilespmem:$0x340];
	v56 =	vadd.f32 v14, v13;
	[tilespmem:$0x250] =	vst v46  }
0x81: {  	v58 =	vadd.f32 v16, v15;
	[tilespmem:$0x1FFD0] =	vst v62;
	v62 =	vld [tilespmem:$0x430]  }
0x82: {  	v35 =	vld [tilespmem:$0x350];
	v60 =	vadd.f32 v18, v17;
	[tilespmem:$0x2A0] =	vst v56  }
0x83: {  	v37 =	vld [tilespmem:$0x3C0];
	v21 =	vadd.f32 v22, v21;
	[tilespmem:$0x2B0] =	vst v58  }
0x84: {  	v40 =	vld [tilespmem:$0x1FFB0];
	[tilespmem:$0x2C0] =	vst v60  }
0x85: {  	v23 =	vadd.f32 v24, v23;
	[tilespmem:$0x2E0] =	vst v21;
	v41 =	vld [tilespmem:$0x1FFC0]  }
0x86: {  	v25 =	vadd.f32 v26, v25;
	[tilespmem:$0x1FFE0] =	vst v62;
	v62 =	vld [tilespmem:$0x240]  }
0x87: {  	[tilespmem:$0x2F0] =	vst v23;
	v36 =	vadd.f32 v28, v27;
	v42 =	vld [tilespmem:$0x1FFD0]  }
0x88: {  	[tilespmem:$0x300] =	vst v25;
	v38 =	vadd.f32 v30, v29;
	v43 =	vld [tilespmem:$0x1FFE0]  }
0x89: {  	v63 =	vld [tilespmem:$0x3A0];
	[tilespmem:$0x310] =	vst v36  }
0x8a: {  	v22 =	vld [tilespmem:$0x4A0];
	[tilespmem:$0x320] =	vst v38;
	v0 =	vadd.f32 v41, v40  }
0x8b: {  	v40 =	vadd.f32 v32, v31;
	[tilespmem:$0x1FFF0] =	vst v62;
	v62 =	vadd.f32 v7, v6;
	v6 =	vld [tilespmem:$0x460]  }
0x8c: {  	[tilespmem:$0x220] =	vst v0;
	v7 =	vld [tilespmem:$0x270]  }
0x8d: {  	[tilespmem:$0x330] =	vst v40;
	v2 =	vadd.f32 v43, v42;
	v44 =	vld [tilespmem:$0x1FFF0]  }
0x8e: {  	v24 =	vld [tilespmem:$0x3B0];
	v42 =	vadd.f32 v34, v33;
	[tilespmem:$0x50] =	vst v62  }
0x8f: {  	v26 =	vld [tilespmem:$0x4B0];
	v62 =	vadd.f32 v11, v10;
	[tilespmem:$0x230] =	vst v2  }
0x90: {  	v39 =	vld [tilespmem:$0x4C0];
	[tilespmem:$0x340] =	vst v42;
	v48 =	vadd.f32 v6, v5  }
0x91: {  	v46 =	vld [tilespmem:$0x4E0];
	[tilespmem:$0x70] =	vst v62;
	v50 =	vadd.f32 v8, v7  }
0x92: {  	v56 =	vld [tilespmem:$0x410];
	v0 =	vadd.f32 v1, v44;
	[tilespmem:$0x260] =	vst v48  }
0x93: {  	v58 =	vld [tilespmem:$0x510];
	v1 =	vadd.f32 v45, v35;
	[tilespmem:$0x270] =	vst v50  }
0x94: {  	v41 =	vld [tilespmem:$0x3D0];
	v45 =	vadd.f32 v49, v47;
	[tilespmem:$0x240] =	vst v0  }
0x95: {  	v10 =	vld [tilespmem:$0x480];
	v47 =	vadd.f32 v53, v51;
	[tilespmem:$0x350] =	vst v1  }
0x96: {  	v11 =	vld [tilespmem:$0x290];
	v49 =	vadd.f32 v57, v55;
	[tilespmem:$0x360] =	vst v45  }
0x97: {  	v43 =	vld [tilespmem:$0x4D0];
	v51 =	vadd.f32 v61, v59;
	[tilespmem:$0x370] =	vst v47  }
0x98: {  	v62 =	vld [tilespmem:$0x4D0];
	v53 =	vadd.f32 v22, v63;
	[tilespmem:$0x380] =	vst v49  }
0x99: {  	v44 =	vld [tilespmem:$0x3E0];
	v55 =	vadd.f32 v26, v24;
	[tilespmem:$0x390] =	vst v51  }
0x9a: {  	v52 =	vadd.f32 v10, v9;
	v48 =	vld [tilespmem:$0x3F0];
	[tilespmem:$0x3A0] =	vst v53  }
0x9b: {  	v54 =	vadd.f32 v12, v11;
	v50 =	vld [tilespmem:$0x4F0];
	[tilespmem:$0x3B0] =	vst v55  }
0x9c: {  	v57 =	vadd.f32 v39, v37;
	[tilespmem:$0x280] =	vst v52;
	v52 =	vld [tilespmem:$0x400]  }
0x9d: {  	v59 =	vadd.f32 v43, v41;
	[tilespmem:$0x290] =	vst v54;
	v54 =	vld [tilespmem:$0x500]  }
0x9e: {  	v63 =	vadd.f32 v58, v56;
	[tilespmem:$0x3C0] =	vst v57  }
0x9f: {  	[tilespmem:$0x3D0] =	vst v59;
	v62 =	vadd.f32 v62, v19  }
0xa0: {  	[tilespmem:$0x410] =	vst v63;
	v60 =	vadd.f32 v46, v44  }
0xa1: {  	[tilespmem:$0x2D0] =	vst v62;
	v61 =	vadd.f32 v50, v48  }
0xa2: {  	[tilespmem:$0x3E0] =	vst v60;
	v62 =	vadd.f32 v54, v52  }
0xa3: {  	p0 =	sne.s32 s7, $0x1;
	[tilespmem:$0x3F0] =	vst v61  }
.Ltmp0:
0xa4: {  	[tilespmem:$0x400] =	vst v62;
	(pc) =	sbr.rel @p0 .LBB2_1-.Ltmp0, $4  }
0xa5: {  	[hbm4b:s6+s2] =	stream.linear.scatter [tilespmem:s10], [sflag:$0x2], $0x400, $0x38;
	[tilespmem:$0x520] =	vst v63  }
0xa6: {  	_ =	swait.ge [sflag:s8], $0x400  }
0xa7: {  	[sflag:s8] =	ssyncset.done $0x0  }
0xa8: {  	s7 =	sadd.s32 $0xFFFFFFFF, s7;
	[sflag:s8] =	ssyncadd.s32 $0xFFFFFC00  }
0xa9: {  	_ =	sfence.sel $0x180000  }
0xaa: {  	[bflag:$0x0] =	sbarrier.arrive $0xFFFF  }
0xab: {  	p0 =	sne.s32 s1, $0x0;
	_ =	strace $0x90000047  }
0xac: {  	s0 =	sadd.s32 @!p0 $0x100000, s0;
	[bflag:$0x2] =	sbarrier.arrive $0xFFFF  }
0xad: {  	[sflag:s0] =	ssyncadd.tile.s32 @!p0 $0x1;
	_ =	shalt  }
.Lfunc_end2:
_tile_overlayer_lowered:
.L_overlay_start_2:
0xae: {  	(tag) =	ssettag $0x2  }
0xaf: {  	s0 =	rddreg [dreg:$0x0];
	s2 =	stileid.u32  }
0xb0: {  	s1 =	rddreg [dreg:$0x1];
	p0 =	sne.s32 s2, $0x0  }
0xb1: {  	s3 =	rddreg [dreg:$0x2];
	[bflag:$0x3] =	sbarrier.arrive $0xFFFF;
	s2 =	simm.s32 @!p0 $0x1C02  }
0xb2: {  	[timem:s3], [sflag:s2] =	dma.local @!p0 [hbm:s0], s1  }
0xb3: {  	s0 =	simm.s32 @!p0 $0x2  }
0xb4: {  	_ =	swait.ge @!p0 [sflag:s0], s1  }
0xb5: {  	s1 =	ssub.s32 @!p0 $0x0, s1;
	[sflag:s0] =	ssyncset.done @!p0 $0x0  }
0xb6: {  	[sflag:s0] =	ssyncadd.s32 @!p0 s1  }
0xb7: {  	[bflag:$0x3] =	sbarrier.arrive $0xFFFF  }
0xb8: {  	_ =	shalt  }

// kernel: sparse-core-data-format-call.cloned.1.call-start
scs
called_computation_lowered:
.L_overlay_start_0:
0x0: {  	s2 =	sld [smem:$0x3FD9]  }
0x1: {  	s3 =	sld [smem:$0x3FFE];
	_ =	sdelay $0x1  }
0x2: {  	s1 =	srdreg.scid  }
0x3: {  	s0 =	sand.u32 $0x1, s1  }
0x4: {  	s18 =	sshll.u32 s0, $0xA;
	s2 =	sadd.s32 s3, s2  }
0x5: {  	s2 =	sadd.s32 s2, s18  }
0x6: {  	[smem:$0x3FC3] =	sst s2  }
0x7: {  	_ = 	snop  }
0x8: {  	s2 =	sld [smem:$0x3FD0];
	(tm) =	ssettm $0x1  }
0x9: {  	s19 =	sld [smem:$0x3FFB];
	_ =	sdelay $0x3  }
0xa: {  	_ =	strace s19  }
0xb: {  	s3 =	sld [smem:$0x3FFC];
	_ =	sdelay $0x3  }
0xc: {  	_ =	strace s3  }
0xd: {  	s3 =	sld [smem:$0x3FFD];
	_ =	sdelay $0x3  }
0xe: {  	_ =	strace s3  }
0xf: {  	_ =	strace $0x8FFFFFFF  }
0x10: {  	s20 =	sld [smem:$0x3FDB];
	_ =	sdelay $0x1  }
0x11: {  	s4 =	simm.s32 $_scs_section_size  }
0x12: {  	s5 =	simm.s32 $_size__tile_overlayer_lowered;
	s6 =	simm.s32 $_tile_overlayer_lowered  }
0x13: {  	s23 =	simm.s32 $0x1BFF;
	s22 =	sshll.u32 s6, $0x1;
	s3 =	sadd.s32 s4, s20  }
0x14: {  	s7 =	simm.s32 $0x0;
	s21 =	sshll.u32 s5, $0x1;
	s5 =	sadd.s32 s22, s3  }
0x15: {  	[timem:s7], [sflag:s23] =	dma.local [hbm:s5], s21  }
0x16: {  	_ =	swait.ge [sflag:s23], s21  }
0x17: {  	s4 =	ssub.s32 $0x0, s21;
	[sflag:s23] =	ssyncset.done $0x0  }
0x18: {  	[sflag:s23] =	ssyncadd.s32 s4;
	_ =	sdelay $0x1  }
0x19: {  	s24 =	simm.s32 $0x1B8B  }
0x1a: {  	_ =	swait.ge [sflag:s24], $0x1  }
0x1b: {  	[sflag:s24] =	ssyncset.done $0x0  }
0x1c: {  	s26 =	simm.s32 $0x1B8E;
	s25 =	sld [smem:$0x3FFE];
	[sflag:s24] =	ssyncadd.s32 $0xFFFFFFFF  }
0x1d: {  	s27 =	simm.s32 $execute0_lowered;
	[smem:$0x3FD2] =	sst s26  }
0x1e: {  	s5 =	sshll.u32 s27, $0x1;
	_ =	strace $0x80000049;
	[dreg:$0x1] =	wrdreg $0xFFFFFFFF  }
0x1f: {  	s28 =	simm.s32 $_size_execute0_lowered;
	s3 =	sadd.s32 s3, s5;
	[dreg:$0x0] =	wrdreg $0x0  }
0x20: {  	s5 =	sshll.u32 s28, $0x1;
	[dreg:$0x2] =	wrdreg s3  }
0x21: {  	[dreg:$0x3] =	wrdreg s5  }
0x22: {  	[dreg:$0x4] =	wrdreg $0xC0  }
0x23: {  	_ =	task [dreg:s7], $0x5FFFF  }
0x24: {  	[dreg:$0x1] =	wrdreg $0xFFFFFFFF  }
0x25: {  	[dreg:$0x0] =	wrdreg $0x60  }
0x26: {  	[dreg:$0x2] =	wrdreg s25  }
0x27: {  	[dreg:$0x3] =	wrdreg s2  }
0x28: {  	[dreg:$0x4] =	wrdreg $0x9  }
0x29: {  	_ =	task.clear_ibuf [dreg:s7], $0x5FFFF;
	_ =	strace $0x90000049  }
0x2a: {  	s29 =	simm.s32 $0x9;
	_ =	strace $0x8000004B  }
0x2b: {  	_ =	swait.ge [sflag:s29], $0x1  }
0x2c: {  	[sflag:s29] =	ssyncadd.s32 $0xFFFFFFFF  }
0x2d: {  	_ =	strace $0x9000004B  }
0x2e: {  	_ =	sfence  }
0x2f: {  	s30 =	sld [smem:$0x0];
	_ =	sdelay $0x2  }
0x30: {  	s31 =	sshll.u32 s1, $0xD;
	s1 =	sshrl.u32 s1, $0x2  }
0x31: {  	s3 =	sand.u32 $0x4000, s31;
	s1 =	sadd.s32 s1, s30  }
0x32: {  	s0 =	sor.u32 s3, s0;
	s1 =	sshll.u32 s1, $0x11  }
0x33: {  	s0 =	sor.u32 s1, s0  }
0x34: {  	s0 =	sadd.s32 $0x8F2B, s0  }
0x35: {  	[sflag:s0] =	ssyncadd.remote.s32 $0x1  }
0x36: {  	_ =	sfence.sel $0xFFFF  }
0x37: {  	[dreg:$0x0] =	wrdreg $0xFFFFFFFF;
	(pc) =	sbr.abs _section_cstart, $3  }
0x38: {  	[dreg:$0x1] =	wrdreg $0xFFFFFFFF  }
0x39: {  	_ =	task.clear_ibuf [dreg:s7], $0x2FFFF;
	_ =	strace $0x9FFFFFFF  }
0x3a: {  	(tm) =	ssettm $0x7FFFFFFF  }
0x3b: {  	_ =	shalt  }
tec
execute0_lowered:
.L_overlay_start_1:
0x0: {  	(tag) =	ssettag $0x1  }
0x1: {  	s4 =	rddreg [dreg:$0x0];
	s0 =	stileid.u32  }
0x2: {  	s1 =	srdreg.scid;
	s2 =	rddreg [dreg:$0x1]  }
0x3: {  	s8 =	simm.s32 $0x2;
	s16 =	simm.s32 $0x0;
	p0 =	por $0x0, $0x0  }
0x4: {  	s18 =	simm.s32 $0x0;
	s17 =	simm.s32 $0x0;
	s9 =	simm.s32 $0x0  }
0x5: {  	s10 =	simm.s32 $0x0;
	s11 =	simm.s32 $0x0;
	s14 =	simm.s32 $0x0  }
0x6: {  	s15 =	simm.s32 $0x0;
	s3 =	sshll.u32 s0, $0x4;
	s5 =	sshll.u32 s1, $0x8  }
.Ltmp0:
0x7: {  	s1 =	rddreg [dreg:$0x2];
	s3 =	sor.u32 s3, s5;
	(pc) =	sbr.rel .LBB1_1-.Ltmp0, $4  }
0x8: {  	_ =	strace $0x8000004A;
	s4 =	sadd.s32 $0x1A00, s4;
	s3 =	sand.u32 $0x180, s3  }
0x9: {  	s7 =	sand.u32 $0x7, s0;
	s5 =	simm.s32 $0x1;
	s6 =	ssub.s32 $0x18680, s3  }
0xa: {  	s13 =	smov.u32 s7;
	[sflag:s5] =	ssyncpa.u1 $0x0;
	s6 =	sshrl.u32 s6, $0x9  }
0xb: {  	[sflag:s8] =	ssyncpa.u1 $0x0;
	s12 =	smov.u32 s3;
	s8 =	sadd.s32 $0x2, s6  }
.LBB1_5:
0xc: {  	p1 =	slt.u32 s15, $0x2  }
0xd: {  	p2 =	sgt.s32 @!p1 s18, $0x7  }
0xe: {  	s19 =	smov.u32 s18;
	s20 =	sshra.s32 @!p1 s18, $0x1F;
	p2 =	por !p2, p1  }
0xf: {  	s18 =	sand.u32 @!p1 s20, s18;
	s19 =	simm.s32 @p2 $0x7  }
0x10: {  	p3 =	sgt.s32 @!p1 s16, $0x18620;
	s18 =	ssub.s32 @!p1 s19, s18  }
0x11: {  	p3 =	por !p3, p1;
	s20 =	smov.u32 s16;
	s19 =	sadd.s32 @!p1 $0xFFFFFFF9, s18  }
0x12: {  	s18 =	ssub.s32 @!p1 $0x8, s18;
	p2 =	sgt.s32 @!p1 s19, $0x0;
	s19 =	sshra.s32 @!p1 s16, $0x1F  }
0x13: {  	s16 =	sand.u32 @!p1 s19, s16;
	s19 =	ssub.s32 @!p1 $0x0, s17;
	p2 =	por !p2, p1  }
0x14: {  	s20 =	simm.s32 @p3 $0x18620;
	s17 =	smin.u32 @!p1 s17, s19;
	s18 =	simm.s32 @!p2 $0x0  }
0x15: {  	s16 =	ssub.s32 @!p1 s20, s16;
	s20 =	smov.u32 s13;
	p2 =	sgt.s32 @!p1 s17, $0x7F  }
0x16: {  	s19 =	sadd.s32 @!p1 $0xFFFE79E0, s16;
	s17 =	ssub.s32 @!p1 $0x80, s17;
	p2 =	por !p2, p1  }
0x17: {  	s16 =	ssub.s32 @!p1 $0x186A0, s16;
	p3 =	sgt.s32 @!p1 s19, $0x7F;
	s17 =	simm.s32 @!p2 $0x0  }
0x18: {  	s19 =	sadd.s32 $0x200, s12;
	p2 =	por !p3, p1;
	s17 =	smul.u32 @!p1 s17, s18  }
0x19: {  	s16 =	simm.s32 @!p2 $0x0;
	p2 =	sgt.s32 s19, $0x1869F;
	s18 =	sadd.s32 $0x8, s13  }
0x1a: {  	s21 =	smov.u32 s14;
	s20 =	smov.u32 @p2 s18  }
0x1b: {  	s16 =	smul.u32 @!p1 s16, s17;
	p3 =	sgt.s32 s20, $0x7;
	s17 =	sadd.s32 $0x80, s14  }
0x1c: {  	p0 =	por !p0, !p0;
	s22 =	simm.s32 @!p1 $0x2;
	s21 =	smov.u32 @p3 s17  }
0x1d: {  	s19 =	smov.u32 @p2 s3;
	s18 =	smov.u32 s10;
	p2 =	sgt.s32 s21, $0x7F  }
0x1e: {  	s10 =	smov.u32 s13;
	s21 =	simm.s32 @p2 $0x0;
	p2 =	sne.s32 s15, s8  }
.Ltmp1:
0x1f: {  	s20 =	smov.u32 @p3 s7;
	s17 =	smov.u32 s11;
	(pc) =	sbr.rel @!p2 .LBB1_6-.Ltmp1, $4  }
0x20: {  	s11 =	smov.u32 s14;
	s16 =	sand.u32 @!p1 $0x3FFFFFFF, s16;
	s13 =	smov.u32 s20  }
0x21: {  	_ =	swait.ge @!p1 [sflag:s22], s16;
	s23 =	ssub.s32 @!p1 $0x0, s16;
	s16 =	smov.u32 s9  }
0x22: {  	s15 =	sadd.s32 $0x1, s15;
	s9 =	smov.u32 s12;
	[sflag:s22] =	ssyncset.done @!p1 $0x0  }
0x23: {  	s12 =	smov.u32 s19;
	s14 =	smov.u32 s21;
	[sflag:s22] =	ssyncadd.s32 @!p1 s23  }
.LBB1_1:
0x24: {  	p1 =	sgt.u32 s15, s6  }
0x25: {  	s19 =	sshrl.u32 @!p1 s13, $0x3  }
0x26: {  	s20 =	sshll.u32 @!p1 s12, $0x3;
	s19 =	smul.u32 @!p1 $0xC3800, s19  }
0x27: {  	s21 =	sshll.u32 @!p1 s13, $0x7;
	s20 =	sand.u32 @!p1 $0xFFFFFC00, s20  }
0x28: {  	s19 =	sadd.s32 @!p1 s19, s20;
	s20 =	sand.u32 @!p1 $0x380, s21  }
0x29: {  	s21 =	sand.u32 @!p1 $0x7F, s12;
	s19 =	sor.u32 @!p1 s20, s19  }
0x2a: {  	s20 =	sor.u32 @!p1 s21, s19  }
0x2b: {  	s21 =	smulhi.u32 @!p1 $0xA79C7B17, s20  }
0x2c: {  	s19 =	smulhi.u32 @!p1 $0xA79C7B17, s19  }
0x2d: {  	s21 =	sshrl.u32 @!p1 s21, $0x10  }
0x2e: {  	s19 =	sshrl.u32 @!p1 s19, $0x10;
	s21 =	smul.u32 @!p1 $0x18700, s21  }
0x2f: {  	s22 =	sxor.u32 @!p1 $0xFFFFFFFF, s15;
	s23 =	smul.u32 @!p1 $0x18700, s14;
	s19 =	sand.u32 @!p1 $0x7, s19  }
0x30: {  	s22 =	sshll.u32 @!p1 s22, $0xE;
	s19 =	smul.u32 @!p1 $0x30E0, s19;
	s20 =	ssub.s32 @!p1 s20, s21  }
0x31: {  	s21 =	sand.u32 @!p1 $0x4000, s22;
	s22 =	sadd.s32 @!p1 s4, s23;
	s23 =	sand.u32 @!p1 $0x7, s20  }
0x32: {  	s20 =	sshrl.u32 @!p1 s20, $0x3;
	s19 =	sadd.s32 @!p1 s19, s22;
	s22 =	sshll.u32 @!p1 s23, $0x12  }
0x33: {  	s19 =	sadd.s32 @!p1 s20, s19;
	s20 =	sor.u32 @!p1 $0x80, s22;
	s22 =	simm.s32 @!p1 $0xC3800  }
0x34: {  	[tilespmem:s21], [sflag:$0x1] =	stream.strided.gather @!p1 [hbm4b:s19+s20], $0x4000, s22, s20, $0x38;
	[tilespmem:$0x10100] =	vst v63  }
0x35: {  	p1 =	seq.s32 s15, $0x0  }
0x36: {  	p2 =	sge.u32 @!p1 s15, s8  }
0x37: {  	p1 =	por p1, p2  }
.Ltmp2:
0x38: {  	_ = 	snop;
	(pc) =	sbr.rel @p1 .LBB1_5-.Ltmp2, $1  }
0x39: {  	_ =	sdelay $0x3  }
0x3a: {  	s19 =	simm.s32 $0x1  }
0x3b: {  	_ =	swait.ge [sflag:s5], $0x4000;
	s19 =	simm.s32 @!p0 $0x0  }
0x3c: {  	[sflag:s5] =	ssyncset.done $0x0;
	s20 =	sshll.u32 s19, $0xE  }
0x3d: {  	[sflag:s5] =	ssyncadd.s32 $0xFFFFC000;
	s20 =	sor.u32 $0x40, s20  }
0x3e: {  	s19 =	smul.u32 $0x10200, s19;
	v0 =	vld [tilespmem:s20+$0x30]  }
0x3f: {  	v1 =	vld [tilespmem:s20+$0xFFFFFFD0]  }
0x40: {  	s19 =	sshrl.u32 s19, $0x2;
	v5 =	vld [tilespmem:s20+$0xFFFFFFE0]  }
0x41: {  	v6 =	vld [tilespmem:s20+$0xFFFFFFF0];
	s22 =	sor.u32 $0x8000, s19  }
0x42: {  	s31 =	sand.u32 $0x1, s15;
	v4 =	vld [tilespmem:s20+$0x0];
	s21 =	sadd.s32 $0x0, s22  }
0x43: {  	v3 =	vld [tilespmem:s20+$0x10];
	s19 =	smul.u32 $0x10200, s31;
	[tilespmem:s21+$0x3870 ss:$0x81] =	vst.msk $0xffff, v0  }
0x44: {  	v2 =	vld [tilespmem:s20+$0x20];
	[tilespmem:s21+$0x810 ss:$0x81] =	vst.msk $0xffff, v1  }
0x45: {  	s19 =	sshrl.u32 s19, $0x2;
	v0 =	vld [tilespmem:s20+$0xFFFFFFC0];
	[tilespmem:s21+$0x1020 ss:$0x81] =	vst.msk $0xffff, v5;
	s20 =	sadd.s32 $0x80, s20  }
0x46: {  	s23 =	simm.s32 $0x4;
	s24 =	simm.s32 $0x8;
	s19 =	sor.u32 $0x8000, s19;
	[tilespmem:s21+$0x1830 ss:$0x81] =	vst.msk $0xffff, v6;
	v1 =	vld [tilespmem:s20+$0x30]  }
.LBB1_3:
0x47: {  	p1 =	sne.s32 s24, $0x1FC;
	v5 =	vld [tilespmem:s20+$0xFFFFFFD0];
	[tilespmem:s21+$0x2040 ss:$0x81] =	vst.msk $0xffff, v4  }
0x48: {  	v6 =	vld [tilespmem:s20+$0xFFFFFFE0];
	[tilespmem:s21+$0x2850 ss:$0x81] =	vst.msk $0xffff, v3  }
0x49: {  	s25 =	sshra.s32 s23, $0x2;
	s23 =	smov.u32 s24;
	v7 =	vld [tilespmem:s20+$0xFFFFFFF0];
	[tilespmem:s21+$0x3060 ss:$0x81] =	vst.msk $0xffff, v2  }
.Ltmp3:
0x4a: {  	v4 =	vld [tilespmem:s20+$0x0];
	[tilespmem:s21+$0x0 ss:$0x81] =	vst.msk $0xffff, v0;
	s21 =	sadd.s32 s25, s22;
	(pc) =	sbr.rel @p1 .LBB1_3-.Ltmp3, $4  }
0x4b: {  	v3 =	vld [tilespmem:s20+$0x10];
	[tilespmem:s21+$0x3870 ss:$0x81] =	vst.msk $0xffff, v1  }
0x4c: {  	[tilespmem:s21+$0x810 ss:$0x81] =	vst.msk $0xffff, v5;
	v2 =	vld [tilespmem:s20+$0x20]  }
0x4d: {  	v0 =	vld [tilespmem:s20+$0xFFFFFFC0];
	[tilespmem:s21+$0x1020 ss:$0x81] =	vst.msk $0xffff, v6;
	s20 =	sadd.s32 $0x80, s20  }
0x4e: {  	s24 =	sadd.s32 $0x4, s24;
	v1 =	vld [tilespmem:s20+$0x30];
	[tilespmem:s21+$0x1830 ss:$0x81] =	vst.msk $0xffff, v7  }
0x4f: {  	s24 =	sshll.u32 s9, $0x7  }
0x50: {  	s25 =	sshll.u32 s11, $0x3;
	p1 =	sgt.s32 s10, $0x7;
	s29 =	sshra.s32 s10, $0x1F  }
0x51: {  	s23 =	sshra.s32 s23, $0x2;
	s26 =	sand.u32 $0xFFFFFC00, s24;
	s25 =	sand.u32 $0xFFFFFC00, s25  }
0x52: {  	s28 =	ssub.s32 $0x0, s11;
	s24 =	sand.u32 $0x380, s24;
	s25 =	sadd.s32 s25, s26  }
0x53: {  	[tilespmem:s21+$0x2040 ss:$0x81] =	vst.msk $0xffff, v4;
	s22 =	sadd.s32 s23, s22;
	s24 =	sor.u32 s24, s25;
	s25 =	smov.u32 s10  }
0x54: {  	[tilespmem:s21+$0x2850 ss:$0x81] =	vst.msk $0xffff, v3;
	s26 =	sand.u32 s29, s10;
	s24 =	sshrl.u32 s24, $0x7;
	s25 =	simm.s32 @!p1 $0x7  }
0x55: {  	v5 =	vld [tilespmem:s20+$0xFFFFFFD0];
	[tilespmem:s21+$0x3060 ss:$0x81] =	vst.msk $0xffff, v2;
	s29 =	sshra.s32 s9, $0x1F;
	s27 =	smulhi.u32 $0x14F8B59, s24;
	s25 =	ssub.s32 s25, s26  }
0x56: {  	v58 =	vld [tilespmem:s20+$0xFFFFFFE0];
	[tilespmem:s21+$0x0 ss:$0x81] =	vst.msk $0xffff, v0;
	s21 =	sand.u32 s29, s9;
	s30 =	sadd.s32 $0xFFFFFFF9, s25;
	s23 =	ssub.s32 $0x8, s25  }
0x57: {  	v59 =	vld [tilespmem:s20+$0xFFFFFFF0];
	s25 =	smov.u32 s9;
	s31 =	sshrl.u32 s27, $0x9;
	p1 =	sgt.s32 s30, $0x0  }
0x58: {  	v60 =	vld [tilespmem:s20+$0x0];
	s27 =	smin.u32 s11, s28;
	s23 =	simm.s32 @p1 $0x0;
	p1 =	sgt.s32 s9, $0x18620  }
0x59: {  	v61 =	vld [tilespmem:s20+$0x10];
	[tilespmem:s22+$0x3870 ss:$0x81] =	vst.msk $0xffff, v1;
	s25 =	simm.s32 @!p1 $0x18620;
	p1 =	sgt.s32 s27, $0x7F;
	s27 =	ssub.s32 $0x80, s27  }
0x5a: {  	v62 =	vld [tilespmem:s20+$0x20];
	[tilespmem:s22+$0x810 ss:$0x81] =	vst.msk $0xffff, v5;
	s30 =	smul.u32 $0x186A0, s31;
	s21 =	ssub.s32 s25, s21;
	s27 =	simm.s32 @p1 $0x0  }
0x5b: {  	v63 =	vld [tilespmem:s20+$0xFFFFFFC0];
	[tilespmem:s22+$0x1020 ss:$0x81] =	vst.msk $0xffff, v58;
	s28 =	sshrl.u32 s11, $0x3;
	s31 =	smul.u32 s27, s23;
	s26 =	sadd.s32 $0xFFFE79E0, s21  }
0x5c: {  	[tilespmem:s22+$0x1830 ss:$0x81] =	vst.msk $0xffff, v59;
	s21 =	ssub.s32 $0x186A0, s21;
	s27 =	smul.u32 $0x186A00, s10;
	p1 =	sgt.s32 s26, $0x7F  }
.Ltmp4:
0x5d: {  	[tilespmem:s22+$0x2040 ss:$0x81] =	vst.msk $0xffff, v60;
	s29 =	sand.u32 $0xF, s28;
	s21 =	simm.s32 @p1 $0x0;
	(pc) =	sbr.rel .LBB1_5-.Ltmp4, $4  }
0x5e: {  	[tilespmem:s22+$0x2850 ss:$0x81] =	vst.msk $0xffff, v61;
	s24 =	ssub.s32 s24, s30;
	s23 =	sadd.s32 s2, s27;
	s20 =	smul.u32 s21, s31  }
0x5f: {  	[tilespmem:s22+$0x3060 ss:$0x81] =	vst.msk $0xffff, v62;
	s30 =	sshll.u32 s24, $0x4;
	s21 =	sadd.s32 s29, s23  }
0x60: {  	[tilespmem:s22+$0x0 ss:$0x81] =	vst.msk $0xffff, v63;
	s31 =	sand.u32 $0x7, s11;
	s21 =	sadd.s32 s30, s21;
	s20 =	sand.u32 $0x3FFFFFFF, s20  }
0x61: {  	[hbm4b:s21+s31] =	stream.linear.scatter [tilespmem:s19], [sflag:$0x2], s20, $0x20;
	[tilespmem:$0x10100] =	vst v63  }
.LBB1_6:
0x62: {  	_ =	sfence.sel $0x180000  }
0x63: {  	s2 =	simm.s32 $0x1;
	[bflag:$0x0] =	sbarrier.arrive $0xFFFF  }
0x64: {  	s31 =	simm.s32 $0x2;
	[sflag:s2] =	ssyncpa.u1 $0x1  }
0x65: {  	[sflag:s31] =	ssyncpa.u1 $0x1  }
0x66: {  	p0 =	sne.s32 s0, $0x0;
	_ =	strace $0x9000004A  }
0x67: {  	s0 =	sadd.s32 @!p0 $0x100000, s1;
	[bflag:$0x2] =	sbarrier.arrive $0xFFFF  }
0x68: {  	[sflag:s0] =	ssyncadd.tile.s32 @!p0 $0x1;
	_ =	shalt  }
.Lfunc_end1:
_tile_overlayer_lowered:
.L_overlay_start_2:
0x69: {  	(tag) =	ssettag $0x2  }
0x6a: {  	s0 =	rddreg [dreg:$0x0];
	s2 =	stileid.u32  }
0x6b: {  	s1 =	rddreg [dreg:$0x1];
	p0 =	sne.s32 s2, $0x0  }
0x6c: {  	s3 =	rddreg [dreg:$0x2];
	[bflag:$0x3] =	sbarrier.arrive $0xFFFF;
	s2 =	simm.s32 @!p0 $0x1C01  }
0x6d: {  	[timem:s3], [sflag:s2] =	dma.local @!p0 [hbm:s0], s1  }
0x6e: {  	s0 =	simm.s32 @!p0 $0x1  }
0x6f: {  	_ =	swait.ge @!p0 [sflag:s0], s1  }
0x70: {  	s1 =	ssub.s32 @!p0 $0x0, s1;
	[sflag:s0] =	ssyncset.done @!p0 $0x0  }
0x71: {  	[sflag:s0] =	ssyncadd.s32 @!p0 s1  }
0x72: {  	[bflag:$0x3] =	sbarrier.arrive $0xFFFF  }
0x73: {  	_ =	shalt  }

</sc_bundles>
